<compile_context>
chip_gen: v7x
topology: tpu7x:2x2x1
jax: 0.10.2.dev20260603
libtpu: 0.0.44.dev20260713+nightly
codegen_flags: <defaults>
</compile_context>

<pallas_src>
import functools

import jax
import jax.numpy as jnp
from jax import lax
from jax.experimental import pallas as pl
from jax.experimental.pallas import tpu as pltpu
from jax.experimental.pallas import tpu_sc as plsc

N_NODES = 10000
N_EDGES = 320000
D = 128

NC = 2
NS = 16
NW = NC * NS

EDGES_PER_TILE = N_EDGES // NW
CHUNK = 40
N_CHUNKS = EDGES_PER_TILE // CHUNK

STAGE_ROWS = 80
N_ROW_BLOCKS = N_NODES // STAGE_ROWS
MAX_BLOCKS_PER_TILE = -(-N_ROW_BLOCKS // NS)


def _sc_segment_sum(x, src3, dst3):
  mesh = plsc.VectorSubcoreMesh(core_axis_name="c", subcore_axis_name="s")

  @functools.partial(
      pl.kernel,
      out_type=jax.ShapeDtypeStruct((NC, N_NODES, D), jnp.float32),
      mesh=mesh,
      scratch_types=[
          pltpu.VMEM((N_CHUNKS, CHUNK), jnp.int32),
          pltpu.VMEM((N_CHUNKS, CHUNK), jnp.int32),
          pltpu.VMEM((CHUNK, D), jnp.float32),
          pltpu.VMEM((CHUNK, D), jnp.float32),
          pltpu.VMEM((STAGE_ROWS, D), jnp.float32),
          pltpu.VMEM((STAGE_ROWS, D), jnp.float32),
          pltpu.VMEM_SHARED((N_NODES, D), jnp.float32),
          pltpu.SemaphoreType.DMA,
          pltpu.SemaphoreType.DMA,
          pltpu.SemaphoreType.DMA,
          pltpu.SemaphoreType.DMA,
      ],
      compiler_params=pltpu.CompilerParams(use_tc_tiling_on_sc=False),
  )
  def sc_kernel(x_hbm, src_hbm, dst_hbm, out_hbm,
                src_v, dst_v, rows_a, rows_b, stage_v, zero_v, agg_sh,
                sem_a, sem_b, sem_sa, sem_sb):
    c = lax.axis_index("c")
    s = lax.axis_index("s")
    wid = c * NS + s

    pltpu.sync_copy(src_hbm.at[wid], src_v)
    pltpu.sync_copy(dst_hbm.at[wid], dst_v)

    zeros16 = jnp.zeros((16,), jnp.float32)
    nseg = D // 16

    def zero_body(i, _):
      zero_v[lax.div(i, jnp.int32(nseg)),
             pl.ds(lax.rem(i, jnp.int32(nseg)) * 16, 16)] = zeros16
      return 0

    lax.fori_loop(0, STAGE_ROWS * nseg, zero_body, 0)

    for jj in range(MAX_BLOCKS_PER_TILE):
      blk = s + jj * NS

      @pl.when(blk < N_ROW_BLOCKS)
      def _():
        r = pl.multiple_of(blk * STAGE_ROWS, STAGE_ROWS)
        pltpu.sync_copy(zero_v, agg_sh.at[pl.ds(r, STAGE_ROWS)])

    plsc.subcore_barrier()

    pltpu.async_copy(x_hbm.at[src_v.at[0]], rows_a, sem_a)
    pltpu.async_copy(x_hbm.at[src_v.at[1]], rows_b, sem_b)

    def edge_body(jj, _):
      j = jj * 2
      for buf, sem, off in ((rows_a, sem_a, 0), (rows_b, sem_b, 1)):
        pltpu.make_async_copy(x_hbm.at[src_v.at[j + off]], buf, sem).wait()
        pltpu.sync_copy(buf, agg_sh.at[dst_v.at[j + off]], add=True)

        @pl.when(j + off + 2 < N_CHUNKS)
        def _():
          pltpu.async_copy(x_hbm.at[src_v.at[j + off + 2]], buf, sem)

      return 0

    lax.fori_loop(0, N_CHUNKS // 2, edge_body, 0)

    plsc.subcore_barrier()

    for jj in range(MAX_BLOCKS_PER_TILE):
      blk = s + jj * NS

      @pl.when(blk < N_ROW_BLOCKS)
      def _():
        r = pl.multiple_of(blk * STAGE_ROWS, STAGE_ROWS)
        pltpu.sync_copy(agg_sh.at[pl.ds(r, STAGE_ROWS)],
                        out_hbm.at[c, pl.ds(r, STAGE_ROWS)])

  return sc_kernel(x, src3, dst3)


ROW_BLOCK = 5000


def _tc_mlp_body(x_ref, agg_ref, w1_ref, b1_ref, w2_ref, b2_ref, o_ref):
  h = x_ref[...] + agg_ref[0] + agg_ref[1]
  h = lax.dot_general(h, w1_ref[...], (((1,), (1,)), ((), ())),
                      preferred_element_type=jnp.float32) + b1_ref[...]
  h = jnp.maximum(h, 0.0)
  o_ref[...] = lax.dot_general(h, w2_ref[...], (((1,), (1,)), ((), ())),
                               preferred_element_type=jnp.float32) + b2_ref[...]


def _tc_mlp(x, agg, W1, b1, W2, b2):
  grid = (N_NODES // ROW_BLOCK,)
  row_spec = pl.BlockSpec((ROW_BLOCK, D), lambda i: (i, 0))
  agg_spec = pl.BlockSpec((NC, ROW_BLOCK, D), lambda i: (0, i, 0))
  full_spec = pl.BlockSpec((D, D), lambda i: (0, 0))
  bias_spec = pl.BlockSpec((1, D), lambda i: (0, 0))
  return pl.pallas_call(
      _tc_mlp_body,
      out_shape=jax.ShapeDtypeStruct((N_NODES, D), jnp.float32),
      grid=grid,
      in_specs=[row_spec, agg_spec, full_spec, bias_spec, full_spec,
                bias_spec],
      out_specs=row_spec,
  )(x, agg, W1, b1.reshape(1, D), W2, b2.reshape(1, D))


def kernel(x, edge_index, W1, b1, W2, b2):
  src3 = edge_index[0].reshape(NW, N_CHUNKS, CHUNK)
  dst3 = edge_index[1].reshape(NW, N_CHUNKS, CHUNK)
  agg = _sc_segment_sum(x, src3, dst3)
  return _tc_mlp(x, agg, W1, b1, W2, b2)

# --- scband reference (transcript-rebuilt; emitter-appended) ---
"""Pipeline reference for scband-gin-38216619000492 (READ-ONLY COPY).

The authoritative reference and input builder live on the scoring server;
editing this copy changes nothing except your own understanding.
"""

import jax, jax.numpy as jnp
import numpy as np

N_NODES = 10000
N_EDGES = 320000
D_IN = 128
D_HID = 128
D_OUT = 128
EPS = 0.0


def setup_inputs(seed: int = 0) -> dict:
    key = jax.random.key(seed)
    k1, k2, k3, k4, k5, k6 = jax.random.split(key, 6)
    x = jax.random.normal(k1, (N_NODES, D_IN), dtype=jnp.float32)
    edge_index = jax.random.randint(k2, (2, N_EDGES), 0, N_NODES, dtype=jnp.int32)
    # MLP params (torch Linear convention: y = x @ W.T + b)
    W1 = jax.random.normal(k3, (D_HID, D_IN), dtype=jnp.float32) * (1.0 / np.sqrt(D_IN))
    b1 = jax.random.normal(k4, (D_HID,), dtype=jnp.float32) * 0.01
    W2 = jax.random.normal(k5, (D_OUT, D_HID), dtype=jnp.float32) * (1.0 / np.sqrt(D_HID))
    b2 = jax.random.normal(k6, (D_OUT,), dtype=jnp.float32) * 0.01
    return {"x": x, "edge_index": edge_index, "W1": W1, "b1": b1, "W2": W2, "b2": b2}


def reference(x, edge_index, W1, b1, W2, b2):
    # GINConv: out = MLP((1 + eps) * x + sum_{j in N(i)} x_j)
    src = edge_index[0]
    dst = edge_index[1]
    msgs = jnp.take(x, src, axis=0)                       # gather [E, D]
    agg = jax.ops.segment_sum(msgs, dst, num_segments=N_NODES)  # scatter-add [N, D]
    h = (1.0 + EPS) * x + agg
    h = h @ W1.T + b1
    h = jax.nn.relu(h)
    out = h @ W2.T + b2
    return out

if __name__ == "__main__":
    import jax
    _d = setup_inputs()
    print(jax.jit(kernel)(*tuple(_d.values())))

</pallas_src>

<mosaic_0001>
#map = affine_map<(d0, d1) -> (0, 0)>
#map1 = affine_map<(d0, d1) -> (0, 0, 0)>
module attributes {stable_mosaic.version = 14 : i64} {
  func.func @sc_kernel(%arg0: i32, %arg1: i32, %arg2: memref<10000x128xf32, #tpu.memory_space<hbm>>, %arg3: memref<32x250x40xi32, #tpu.memory_space<hbm>>, %arg4: memref<32x250x40xi32, #tpu.memory_space<hbm>>, %arg5: memref<2x10000x128xf32, #tpu.memory_space<hbm>>, %arg6: memref<250x40xi32, #tpu.memory_space<vmem>>, %arg7: memref<250x40xi32, #tpu.memory_space<vmem>>, %arg8: memref<40x128xf32, #tpu.memory_space<vmem>>, %arg9: memref<40x128xf32, #tpu.memory_space<vmem>>, %arg10: memref<80x128xf32, #tpu.memory_space<vmem>>, %arg11: memref<80x128xf32, #tpu.memory_space<vmem>>, %arg12: memref<10000x128xf32, #tpu.memory_space<vmem_shared>>, %arg13: memref<!tpu.dma_semaphore, #tpu.memory_space<semaphore_mem>>, %arg14: memref<!tpu.dma_semaphore, #tpu.memory_space<semaphore_mem>>, %arg15: memref<!tpu.dma_semaphore, #tpu.memory_space<semaphore_mem>>, %arg16: memref<!tpu.dma_semaphore, #tpu.memory_space<semaphore_mem>>) attributes {dimension_semantics = [#tpu.dimension_semantics<core_parallel>, #tpu.dimension_semantics<subcore_parallel>], iteration_bounds = array<i64: 2, 16>, scalar_prefetch = 0 : i64, scratch_operands = 11 : i64, tpu.core_type = #tpu.core_type<sc_vector_subcore>, window_params = [{transform_indices = #map}, {transform_indices = #map1}, {transform_indices = #map1}, {transform_indices = #map1}]} {
    %mul3A = arith.constant 16 : i32
    %mul3A_0 = arith.muli %arg0, %mul3A : i32
    %add3A = arith.addi %mul3A_0, %arg1 : i32
    "tpu.region"() ({
      %run_scoped3A = tpu.sem_alloc : memref<!tpu.dma_semaphore, #tpu.memory_space<semaphore_mem>>
      %dma_start3A_138 = arith.constant 0 : i32
      %dma_start3A_139 = arith.constant 0 : i32
      %dma_start3A_140 = tpu.memref_slice %arg3[%add3A, %dma_start3A_138, %dma_start3A_139] : memref<32x250x40xi32, #tpu.memory_space<hbm>> -> memref<1x250x40xi32, #tpu.memory_space<hbm>>
      %dma_start3A_141 = tpu.memref_squeeze %dma_start3A_140 : memref<1x250x40xi32, #tpu.memory_space<hbm>> -> memref<250x40xi32, #tpu.memory_space<hbm>>
      %dma_start3A_142 = arith.constant 0 : i32
      %dma_start3A_143 = arith.constant 0 : i32
      %dma_start3A_144 = tpu.memref_slice %arg3[%add3A, %dma_start3A_142, %dma_start3A_143] : memref<32x250x40xi32, #tpu.memory_space<hbm>> -> memref<1x250x40xi32, #tpu.memory_space<hbm>>
      %dma_start3A_145 = tpu.memref_squeeze %dma_start3A_144 : memref<1x250x40xi32, #tpu.memory_space<hbm>> -> memref<250x40xi32, #tpu.memory_space<hbm>>
      tpu.enqueue_dma source(%dma_start3A_145 : memref<250x40xi32, #tpu.memory_space<hbm>>) target(%arg6 : memref<250x40xi32, #tpu.memory_space<vmem>>) target_semaphore(%run_scoped3A : memref<!tpu.dma_semaphore, #tpu.memory_space<semaphore_mem>>)
      %dma_wait3A = arith.constant 0 : i32
      %dma_wait3A_146 = arith.constant 0 : i32
      %dma_wait3A_147 = tpu.memref_slice %arg3[%add3A, %dma_wait3A, %dma_wait3A_146] : memref<32x250x40xi32, #tpu.memory_space<hbm>> -> memref<1x250x40xi32, #tpu.memory_space<hbm>>
      %dma_wait3A_148 = tpu.memref_squeeze %dma_wait3A_147 : memref<1x250x40xi32, #tpu.memory_space<hbm>> -> memref<250x40xi32, #tpu.memory_space<hbm>>
      %dma_wait3A_149 = arith.constant 0 : i32
      %dma_wait3A_150 = arith.constant 0 : i32
      %dma_wait3A_151 = tpu.memref_slice %arg3[%add3A, %dma_wait3A_149, %dma_wait3A_150] : memref<32x250x40xi32, #tpu.memory_space<hbm>> -> memref<1x250x40xi32, #tpu.memory_space<hbm>>
      %dma_wait3A_152 = tpu.memref_squeeze %dma_wait3A_151 : memref<1x250x40xi32, #tpu.memory_space<hbm>> -> memref<250x40xi32, #tpu.memory_space<hbm>>
      tpu.wait_dma2 semaphore(%run_scoped3A : memref<!tpu.dma_semaphore, #tpu.memory_space<semaphore_mem>>) src(%dma_wait3A_152 : memref<250x40xi32, #tpu.memory_space<hbm>>) dst(%arg6 : memref<250x40xi32, #tpu.memory_space<vmem>>)
      tpu.yield
    }) : () -> ()
    "tpu.region"() ({
      %run_scoped3A = tpu.sem_alloc : memref<!tpu.dma_semaphore, #tpu.memory_space<semaphore_mem>>
      %dma_start3A_138 = arith.constant 0 : i32
      %dma_start3A_139 = arith.constant 0 : i32
      %dma_start3A_140 = tpu.memref_slice %arg4[%add3A, %dma_start3A_138, %dma_start3A_139] : memref<32x250x40xi32, #tpu.memory_space<hbm>> -> memref<1x250x40xi32, #tpu.memory_space<hbm>>
      %dma_start3A_141 = tpu.memref_squeeze %dma_start3A_140 : memref<1x250x40xi32, #tpu.memory_space<hbm>> -> memref<250x40xi32, #tpu.memory_space<hbm>>
      %dma_start3A_142 = arith.constant 0 : i32
      %dma_start3A_143 = arith.constant 0 : i32
      %dma_start3A_144 = tpu.memref_slice %arg4[%add3A, %dma_start3A_142, %dma_start3A_143] : memref<32x250x40xi32, #tpu.memory_space<hbm>> -> memref<1x250x40xi32, #tpu.memory_space<hbm>>
      %dma_start3A_145 = tpu.memref_squeeze %dma_start3A_144 : memref<1x250x40xi32, #tpu.memory_space<hbm>> -> memref<250x40xi32, #tpu.memory_space<hbm>>
      tpu.enqueue_dma source(%dma_start3A_145 : memref<250x40xi32, #tpu.memory_space<hbm>>) target(%arg7 : memref<250x40xi32, #tpu.memory_space<vmem>>) target_semaphore(%run_scoped3A : memref<!tpu.dma_semaphore, #tpu.memory_space<semaphore_mem>>)
      %dma_wait3A = arith.constant 0 : i32
      %dma_wait3A_146 = arith.constant 0 : i32
      %dma_wait3A_147 = tpu.memref_slice %arg4[%add3A, %dma_wait3A, %dma_wait3A_146] : memref<32x250x40xi32, #tpu.memory_space<hbm>> -> memref<1x250x40xi32, #tpu.memory_space<hbm>>
      %dma_wait3A_148 = tpu.memref_squeeze %dma_wait3A_147 : memref<1x250x40xi32, #tpu.memory_space<hbm>> -> memref<250x40xi32, #tpu.memory_space<hbm>>
      %dma_wait3A_149 = arith.constant 0 : i32
      %dma_wait3A_150 = arith.constant 0 : i32
      %dma_wait3A_151 = tpu.memref_slice %arg4[%add3A, %dma_wait3A_149, %dma_wait3A_150] : memref<32x250x40xi32, #tpu.memory_space<hbm>> -> memref<1x250x40xi32, #tpu.memory_space<hbm>>
      %dma_wait3A_152 = tpu.memref_squeeze %dma_wait3A_151 : memref<1x250x40xi32, #tpu.memory_space<hbm>> -> memref<250x40xi32, #tpu.memory_space<hbm>>
      tpu.wait_dma2 semaphore(%run_scoped3A : memref<!tpu.dma_semaphore, #tpu.memory_space<semaphore_mem>>) src(%dma_wait3A_152 : memref<250x40xi32, #tpu.memory_space<hbm>>) dst(%arg7 : memref<250x40xi32, #tpu.memory_space<vmem>>)
      tpu.yield
    }) : () -> ()
    %broadcast_in_dim3A = arith.constant 0.000000e+00 : f32
    %broadcast_in_dim3A_1 = vector.broadcast %broadcast_in_dim3A : f32 to vector<16xf32>
    %scan3A = arith.constant 0 : i32
    %scan3A_2 = arith.constant 0 : i32
    %scan3A_3 = arith.constant 640 : i32
    %scan3A_4 = arith.addi %scan3A_2, %scan3A_3 : i32
    %scan3A_5 = arith.constant 1 : i32
    %scan3A_6 = scf.for %scan3A_138 = %scan3A_2 to %scan3A_4 step %scan3A_5 iter_args(%scan3A_139 = %scan3A) -> (i32)  : i32 {
      %div3A = arith.constant 8 : i32
      %div3A_140 = arith.divsi %scan3A_138, %div3A : i32
      %rem3A = arith.constant 8 : i32
      %rem3A_141 = arith.remsi %scan3A_138, %rem3A : i32
      %mul3A_142 = arith.constant 16 : i32
      %mul3A_143 = arith.muli %rem3A_141, %mul3A_142 : i32
      %swap3A = arith.index_cast %div3A_140 : i32 to index
      %swap3A_144 = arith.index_cast %mul3A_143 : i32 to index
      %swap3A_145 = tpu.vector_load %arg11[%swap3A, %swap3A_144] {strides = array<i32>} : memref<80x128xf32, #tpu.memory_space<vmem>>, vector<1x16xf32>,
      %swap3A_146 = vector.shape_cast %swap3A_145 : vector<1x16xf32> to vector<16xf32>
      %swap3A_147 = vector.shape_cast %broadcast_in_dim3A_1 : vector<16xf32> to vector<1x16xf32>
      tpu.vector_store %arg11[%swap3A, %swap3A_144], %swap3A_147 {strides = array<i32>} : memref<80x128xf32, #tpu.memory_space<vmem>>, vector<1x16xf32>,
      %scan3A_148 = arith.constant 0 : i32
      scf.yield %scan3A_148 : i32
    }
    %scan3A_7 = arith.constant 640 : i32
    %add3A_8 = arith.constant 0 : i32
    %add3A_9 = arith.addi %arg1, %add3A_8 : i32
    %lt3A = arith.constant 125 : i32
    %lt3A_10 = arith.cmpi slt, %add3A_9, %lt3A : i32
    %convert_element_type3A = arith.extui %lt3A_10 : i1 to i32
    %cond3A = arith.constant 0 : i32
    %cond3A_11 = arith.cmpi ne, %convert_element_type3A, %cond3A : i32
    scf.if %cond3A_11 {
      %mul3A_138 = arith.constant 80 : i32
      %mul3A_139 = arith.muli %add3A_9, %mul3A_138 : i32
      %multiple_of3A = tpu.assume_multiple %mul3A_139, 80 : i32
      "tpu.region"() ({
        %run_scoped3A = tpu.sem_alloc : memref<!tpu.dma_semaphore, #tpu.memory_space<semaphore_mem>>
        %dma_start3A_140 = arith.constant 0 : i32
        %dma_start3A_141 = tpu.memref_slice %arg12[%multiple_of3A, %dma_start3A_140] : memref<10000x128xf32, #tpu.memory_space<vmem_shared>> -> memref<80x128xf32, #tpu.memory_space<vmem_shared>>
        %dma_start3A_142 = arith.constant 0 : i32
        %dma_start3A_143 = tpu.memref_slice %arg12[%multiple_of3A, %dma_start3A_142] : memref<10000x128xf32, #tpu.memory_space<vmem_shared>> -> memref<80x128xf32, #tpu.memory_space<vmem_shared>>
        tpu.enqueue_dma source(%arg11 : memref<80x128xf32, #tpu.memory_space<vmem>>) target(%dma_start3A_143 : memref<80x128xf32, #tpu.memory_space<vmem_shared>>) target_semaphore(%run_scoped3A : memref<!tpu.dma_semaphore, #tpu.memory_space<semaphore_mem>>)
        %dma_wait3A = arith.constant 0 : i32
        %dma_wait3A_144 = tpu.memref_slice %arg12[%multiple_of3A, %dma_wait3A] : memref<10000x128xf32, #tpu.memory_space<vmem_shared>> -> memref<80x128xf32, #tpu.memory_space<vmem_shared>>
        %dma_wait3A_145 = arith.constant 0 : i32
        %dma_wait3A_146 = tpu.memref_slice %arg12[%multiple_of3A, %dma_wait3A_145] : memref<10000x128xf32, #tpu.memory_space<vmem_shared>> -> memref<80x128xf32, #tpu.memory_space<vmem_shared>>
        tpu.wait_dma2 semaphore(%run_scoped3A : memref<!tpu.dma_semaphore, #tpu.memory_space<semaphore_mem>>) src(%arg11 : memref<80x128xf32, #tpu.memory_space<vmem>>) dst(%dma_wait3A_146 : memref<80x128xf32, #tpu.memory_space<vmem_shared>>)
        tpu.yield
      }) : () -> ()
    } else {
    }
    %add3A_12 = arith.constant 16 : i32
    %add3A_13 = arith.addi %arg1, %add3A_12 : i32
    %lt3A_14 = arith.constant 125 : i32
    %lt3A_15 = arith.cmpi slt, %add3A_13, %lt3A_14 : i32
    %convert_element_type3A_16 = arith.extui %lt3A_15 : i1 to i32
    %cond3A_17 = arith.constant 0 : i32
    %cond3A_18 = arith.cmpi ne, %convert_element_type3A_16, %cond3A_17 : i32
    scf.if %cond3A_18 {
      %mul3A_138 = arith.constant 80 : i32
      %mul3A_139 = arith.muli %add3A_13, %mul3A_138 : i32
      %multiple_of3A = tpu.assume_multiple %mul3A_139, 80 : i32
      "tpu.region"() ({
        %run_scoped3A = tpu.sem_alloc : memref<!tpu.dma_semaphore, #tpu.memory_space<semaphore_mem>>
        %dma_start3A_140 = arith.constant 0 : i32
        %dma_start3A_141 = tpu.memref_slice %arg12[%multiple_of3A, %dma_start3A_140] : memref<10000x128xf32, #tpu.memory_space<vmem_shared>> -> memref<80x128xf32, #tpu.memory_space<vmem_shared>>
        %dma_start3A_142 = arith.constant 0 : i32
        %dma_start3A_143 = tpu.memref_slice %arg12[%multiple_of3A, %dma_start3A_142] : memref<10000x128xf32, #tpu.memory_space<vmem_shared>> -> memref<80x128xf32, #tpu.memory_space<vmem_shared>>
        tpu.enqueue_dma source(%arg11 : memref<80x128xf32, #tpu.memory_space<vmem>>) target(%dma_start3A_143 : memref<80x128xf32, #tpu.memory_space<vmem_shared>>) target_semaphore(%run_scoped3A : memref<!tpu.dma_semaphore, #tpu.memory_space<semaphore_mem>>)
        %dma_wait3A = arith.constant 0 : i32
        %dma_wait3A_144 = tpu.memref_slice %arg12[%multiple_of3A, %dma_wait3A] : memref<10000x128xf32, #tpu.memory_space<vmem_shared>> -> memref<80x128xf32, #tpu.memory_space<vmem_shared>>
        %dma_wait3A_145 = arith.constant 0 : i32
        %dma_wait3A_146 = tpu.memref_slice %arg12[%multiple_of3A, %dma_wait3A_145] : memref<10000x128xf32, #tpu.memory_space<vmem_shared>> -> memref<80x128xf32, #tpu.memory_space<vmem_shared>>
        tpu.wait_dma2 semaphore(%run_scoped3A : memref<!tpu.dma_semaphore, #tpu.memory_space<semaphore_mem>>) src(%arg11 : memref<80x128xf32, #tpu.memory_space<vmem>>) dst(%dma_wait3A_146 : memref<80x128xf32, #tpu.memory_space<vmem_shared>>)
        tpu.yield
      }) : () -> ()
    } else {
    }
    %add3A_19 = arith.constant 32 : i32
    %add3A_20 = arith.addi %arg1, %add3A_19 : i32
    %lt3A_21 = arith.constant 125 : i32
    %lt3A_22 = arith.cmpi slt, %add3A_20, %lt3A_21 : i32
    %convert_element_type3A_23 = arith.extui %lt3A_22 : i1 to i32
    %cond3A_24 = arith.constant 0 : i32
    %cond3A_25 = arith.cmpi ne, %convert_element_type3A_23, %cond3A_24 : i32
    scf.if %cond3A_25 {
      %mul3A_138 = arith.constant 80 : i32
      %mul3A_139 = arith.muli %add3A_20, %mul3A_138 : i32
      %multiple_of3A = tpu.assume_multiple %mul3A_139, 80 : i32
      "tpu.region"() ({
        %run_scoped3A = tpu.sem_alloc : memref<!tpu.dma_semaphore, #tpu.memory_space<semaphore_mem>>
        %dma_start3A_140 = arith.constant 0 : i32
        %dma_start3A_141 = tpu.memref_slice %arg12[%multiple_of3A, %dma_start3A_140] : memref<10000x128xf32, #tpu.memory_space<vmem_shared>> -> memref<80x128xf32, #tpu.memory_space<vmem_shared>>
        %dma_start3A_142 = arith.constant 0 : i32
        %dma_start3A_143 = tpu.memref_slice %arg12[%multiple_of3A, %dma_start3A_142] : memref<10000x128xf32, #tpu.memory_space<vmem_shared>> -> memref<80x128xf32, #tpu.memory_space<vmem_shared>>
        tpu.enqueue_dma source(%arg11 : memref<80x128xf32, #tpu.memory_space<vmem>>) target(%dma_start3A_143 : memref<80x128xf32, #tpu.memory_space<vmem_shared>>) target_semaphore(%run_scoped3A : memref<!tpu.dma_semaphore, #tpu.memory_space<semaphore_mem>>)
        %dma_wait3A = arith.constant 0 : i32
        %dma_wait3A_144 = tpu.memref_slice %arg12[%multiple_of3A, %dma_wait3A] : memref<10000x128xf32, #tpu.memory_space<vmem_shared>> -> memref<80x128xf32, #tpu.memory_space<vmem_shared>>
        %dma_wait3A_145 = arith.constant 0 : i32
        %dma_wait3A_146 = tpu.memref_slice %arg12[%multiple_of3A, %dma_wait3A_145] : memref<10000x128xf32, #tpu.memory_space<vmem_shared>> -> memref<80x128xf32, #tpu.memory_space<vmem_shared>>
        tpu.wait_dma2 semaphore(%run_scoped3A : memref<!tpu.dma_semaphore, #tpu.memory_space<semaphore_mem>>) src(%arg11 : memref<80x128xf32, #tpu.memory_space<vmem>>) dst(%dma_wait3A_146 : memref<80x128xf32, #tpu.memory_space<vmem_shared>>)
        tpu.yield
      }) : () -> ()
    } else {
    }
    %add3A_26 = arith.constant 48 : i32
    %add3A_27 = arith.addi %arg1, %add3A_26 : i32
    %lt3A_28 = arith.constant 125 : i32
    %lt3A_29 = arith.cmpi slt, %add3A_27, %lt3A_28 : i32
    %convert_element_type3A_30 = arith.extui %lt3A_29 : i1 to i32
    %cond3A_31 = arith.constant 0 : i32
    %cond3A_32 = arith.cmpi ne, %convert_element_type3A_30, %cond3A_31 : i32
    scf.if %cond3A_32 {
      %mul3A_138 = arith.constant 80 : i32
      %mul3A_139 = arith.muli %add3A_27, %mul3A_138 : i32
      %multiple_of3A = tpu.assume_multiple %mul3A_139, 80 : i32
      "tpu.region"() ({
        %run_scoped3A = tpu.sem_alloc : memref<!tpu.dma_semaphore, #tpu.memory_space<semaphore_mem>>
        %dma_start3A_140 = arith.constant 0 : i32
        %dma_start3A_141 = tpu.memref_slice %arg12[%multiple_of3A, %dma_start3A_140] : memref<10000x128xf32, #tpu.memory_space<vmem_shared>> -> memref<80x128xf32, #tpu.memory_space<vmem_shared>>
        %dma_start3A_142 = arith.constant 0 : i32
        %dma_start3A_143 = tpu.memref_slice %arg12[%multiple_of3A, %dma_start3A_142] : memref<10000x128xf32, #tpu.memory_space<vmem_shared>> -> memref<80x128xf32, #tpu.memory_space<vmem_shared>>
        tpu.enqueue_dma source(%arg11 : memref<80x128xf32, #tpu.memory_space<vmem>>) target(%dma_start3A_143 : memref<80x128xf32, #tpu.memory_space<vmem_shared>>) target_semaphore(%run_scoped3A : memref<!tpu.dma_semaphore, #tpu.memory_space<semaphore_mem>>)
        %dma_wait3A = arith.constant 0 : i32
        %dma_wait3A_144 = tpu.memref_slice %arg12[%multiple_of3A, %dma_wait3A] : memref<10000x128xf32, #tpu.memory_space<vmem_shared>> -> memref<80x128xf32, #tpu.memory_space<vmem_shared>>
        %dma_wait3A_145 = arith.constant 0 : i32
        %dma_wait3A_146 = tpu.memref_slice %arg12[%multiple_of3A, %dma_wait3A_145] : memref<10000x128xf32, #tpu.memory_space<vmem_shared>> -> memref<80x128xf32, #tpu.memory_space<vmem_shared>>
        tpu.wait_dma2 semaphore(%run_scoped3A : memref<!tpu.dma_semaphore, #tpu.memory_space<semaphore_mem>>) src(%arg11 : memref<80x128xf32, #tpu.memory_space<vmem>>) dst(%dma_wait3A_146 : memref<80x128xf32, #tpu.memory_space<vmem_shared>>)
        tpu.yield
      }) : () -> ()
    } else {
    }
    %add3A_33 = arith.constant 64 : i32
    %add3A_34 = arith.addi %arg1, %add3A_33 : i32
    %lt3A_35 = arith.constant 125 : i32
    %lt3A_36 = arith.cmpi slt, %add3A_34, %lt3A_35 : i32
    %convert_element_type3A_37 = arith.extui %lt3A_36 : i1 to i32
    %cond3A_38 = arith.constant 0 : i32
    %cond3A_39 = arith.cmpi ne, %convert_element_type3A_37, %cond3A_38 : i32
    scf.if %cond3A_39 {
      %mul3A_138 = arith.constant 80 : i32
      %mul3A_139 = arith.muli %add3A_34, %mul3A_138 : i32
      %multiple_of3A = tpu.assume_multiple %mul3A_139, 80 : i32
      "tpu.region"() ({
        %run_scoped3A = tpu.sem_alloc : memref<!tpu.dma_semaphore, #tpu.memory_space<semaphore_mem>>
        %dma_start3A_140 = arith.constant 0 : i32
        %dma_start3A_141 = tpu.memref_slice %arg12[%multiple_of3A, %dma_start3A_140] : memref<10000x128xf32, #tpu.memory_space<vmem_shared>> -> memref<80x128xf32, #tpu.memory_space<vmem_shared>>
        %dma_start3A_142 = arith.constant 0 : i32
        %dma_start3A_143 = tpu.memref_slice %arg12[%multiple_of3A, %dma_start3A_142] : memref<10000x128xf32, #tpu.memory_space<vmem_shared>> -> memref<80x128xf32, #tpu.memory_space<vmem_shared>>
        tpu.enqueue_dma source(%arg11 : memref<80x128xf32, #tpu.memory_space<vmem>>) target(%dma_start3A_143 : memref<80x128xf32, #tpu.memory_space<vmem_shared>>) target_semaphore(%run_scoped3A : memref<!tpu.dma_semaphore, #tpu.memory_space<semaphore_mem>>)
        %dma_wait3A = arith.constant 0 : i32
        %dma_wait3A_144 = tpu.memref_slice %arg12[%multiple_of3A, %dma_wait3A] : memref<10000x128xf32, #tpu.memory_space<vmem_shared>> -> memref<80x128xf32, #tpu.memory_space<vmem_shared>>
        %dma_wait3A_145 = arith.constant 0 : i32
        %dma_wait3A_146 = tpu.memref_slice %arg12[%multiple_of3A, %dma_wait3A_145] : memref<10000x128xf32, #tpu.memory_space<vmem_shared>> -> memref<80x128xf32, #tpu.memory_space<vmem_shared>>
        tpu.wait_dma2 semaphore(%run_scoped3A : memref<!tpu.dma_semaphore, #tpu.memory_space<semaphore_mem>>) src(%arg11 : memref<80x128xf32, #tpu.memory_space<vmem>>) dst(%dma_wait3A_146 : memref<80x128xf32, #tpu.memory_space<vmem_shared>>)
        tpu.yield
      }) : () -> ()
    } else {
    }
    %add3A_40 = arith.constant 80 : i32
    %add3A_41 = arith.addi %arg1, %add3A_40 : i32
    %lt3A_42 = arith.constant 125 : i32
    %lt3A_43 = arith.cmpi slt, %add3A_41, %lt3A_42 : i32
    %convert_element_type3A_44 = arith.extui %lt3A_43 : i1 to i32
    %cond3A_45 = arith.constant 0 : i32
    %cond3A_46 = arith.cmpi ne, %convert_element_type3A_44, %cond3A_45 : i32
    scf.if %cond3A_46 {
      %mul3A_138 = arith.constant 80 : i32
      %mul3A_139 = arith.muli %add3A_41, %mul3A_138 : i32
      %multiple_of3A = tpu.assume_multiple %mul3A_139, 80 : i32
      "tpu.region"() ({
        %run_scoped3A = tpu.sem_alloc : memref<!tpu.dma_semaphore, #tpu.memory_space<semaphore_mem>>
        %dma_start3A_140 = arith.constant 0 : i32
        %dma_start3A_141 = tpu.memref_slice %arg12[%multiple_of3A, %dma_start3A_140] : memref<10000x128xf32, #tpu.memory_space<vmem_shared>> -> memref<80x128xf32, #tpu.memory_space<vmem_shared>>
        %dma_start3A_142 = arith.constant 0 : i32
        %dma_start3A_143 = tpu.memref_slice %arg12[%multiple_of3A, %dma_start3A_142] : memref<10000x128xf32, #tpu.memory_space<vmem_shared>> -> memref<80x128xf32, #tpu.memory_space<vmem_shared>>
        tpu.enqueue_dma source(%arg11 : memref<80x128xf32, #tpu.memory_space<vmem>>) target(%dma_start3A_143 : memref<80x128xf32, #tpu.memory_space<vmem_shared>>) target_semaphore(%run_scoped3A : memref<!tpu.dma_semaphore, #tpu.memory_space<semaphore_mem>>)
        %dma_wait3A = arith.constant 0 : i32
        %dma_wait3A_144 = tpu.memref_slice %arg12[%multiple_of3A, %dma_wait3A] : memref<10000x128xf32, #tpu.memory_space<vmem_shared>> -> memref<80x128xf32, #tpu.memory_space<vmem_shared>>
        %dma_wait3A_145 = arith.constant 0 : i32
        %dma_wait3A_146 = tpu.memref_slice %arg12[%multiple_of3A, %dma_wait3A_145] : memref<10000x128xf32, #tpu.memory_space<vmem_shared>> -> memref<80x128xf32, #tpu.memory_space<vmem_shared>>
        tpu.wait_dma2 semaphore(%run_scoped3A : memref<!tpu.dma_semaphore, #tpu.memory_space<semaphore_mem>>) src(%arg11 : memref<80x128xf32, #tpu.memory_space<vmem>>) dst(%dma_wait3A_146 : memref<80x128xf32, #tpu.memory_space<vmem_shared>>)
        tpu.yield
      }) : () -> ()
    } else {
    }
    %add3A_47 = arith.constant 96 : i32
    %add3A_48 = arith.addi %arg1, %add3A_47 : i32
    %lt3A_49 = arith.constant 125 : i32
    %lt3A_50 = arith.cmpi slt, %add3A_48, %lt3A_49 : i32
    %convert_element_type3A_51 = arith.extui %lt3A_50 : i1 to i32
    %cond3A_52 = arith.constant 0 : i32
    %cond3A_53 = arith.cmpi ne, %convert_element_type3A_51, %cond3A_52 : i32
    scf.if %cond3A_53 {
      %mul3A_138 = arith.constant 80 : i32
      %mul3A_139 = arith.muli %add3A_48, %mul3A_138 : i32
      %multiple_of3A = tpu.assume_multiple %mul3A_139, 80 : i32
      "tpu.region"() ({
        %run_scoped3A = tpu.sem_alloc : memref<!tpu.dma_semaphore, #tpu.memory_space<semaphore_mem>>
        %dma_start3A_140 = arith.constant 0 : i32
        %dma_start3A_141 = tpu.memref_slice %arg12[%multiple_of3A, %dma_start3A_140] : memref<10000x128xf32, #tpu.memory_space<vmem_shared>> -> memref<80x128xf32, #tpu.memory_space<vmem_shared>>
        %dma_start3A_142 = arith.constant 0 : i32
        %dma_start3A_143 = tpu.memref_slice %arg12[%multiple_of3A, %dma_start3A_142] : memref<10000x128xf32, #tpu.memory_space<vmem_shared>> -> memref<80x128xf32, #tpu.memory_space<vmem_shared>>
        tpu.enqueue_dma source(%arg11 : memref<80x128xf32, #tpu.memory_space<vmem>>) target(%dma_start3A_143 : memref<80x128xf32, #tpu.memory_space<vmem_shared>>) target_semaphore(%run_scoped3A : memref<!tpu.dma_semaphore, #tpu.memory_space<semaphore_mem>>)
        %dma_wait3A = arith.constant 0 : i32
        %dma_wait3A_144 = tpu.memref_slice %arg12[%multiple_of3A, %dma_wait3A] : memref<10000x128xf32, #tpu.memory_space<vmem_shared>> -> memref<80x128xf32, #tpu.memory_space<vmem_shared>>
        %dma_wait3A_145 = arith.constant 0 : i32
        %dma_wait3A_146 = tpu.memref_slice %arg12[%multiple_of3A, %dma_wait3A_145] : memref<10000x128xf32, #tpu.memory_space<vmem_shared>> -> memref<80x128xf32, #tpu.memory_space<vmem_shared>>
        tpu.wait_dma2 semaphore(%run_scoped3A : memref<!tpu.dma_semaphore, #tpu.memory_space<semaphore_mem>>) src(%arg11 : memref<80x128xf32, #tpu.memory_space<vmem>>) dst(%dma_wait3A_146 : memref<80x128xf32, #tpu.memory_space<vmem_shared>>)
        tpu.yield
      }) : () -> ()
    } else {
    }
    %add3A_54 = arith.constant 112 : i32
    %add3A_55 = arith.addi %arg1, %add3A_54 : i32
    %lt3A_56 = arith.constant 125 : i32
    %lt3A_57 = arith.cmpi slt, %add3A_55, %lt3A_56 : i32
    %convert_element_type3A_58 = arith.extui %lt3A_57 : i1 to i32
    %cond3A_59 = arith.constant 0 : i32
    %cond3A_60 = arith.cmpi ne, %convert_element_type3A_58, %cond3A_59 : i32
    scf.if %cond3A_60 {
      %mul3A_138 = arith.constant 80 : i32
      %mul3A_139 = arith.muli %add3A_55, %mul3A_138 : i32
      %multiple_of3A = tpu.assume_multiple %mul3A_139, 80 : i32
      "tpu.region"() ({
        %run_scoped3A = tpu.sem_alloc : memref<!tpu.dma_semaphore, #tpu.memory_space<semaphore_mem>>
        %dma_start3A_140 = arith.constant 0 : i32
        %dma_start3A_141 = tpu.memref_slice %arg12[%multiple_of3A, %dma_start3A_140] : memref<10000x128xf32, #tpu.memory_space<vmem_shared>> -> memref<80x128xf32, #tpu.memory_space<vmem_shared>>
        %dma_start3A_142 = arith.constant 0 : i32
        %dma_start3A_143 = tpu.memref_slice %arg12[%multiple_of3A, %dma_start3A_142] : memref<10000x128xf32, #tpu.memory_space<vmem_shared>> -> memref<80x128xf32, #tpu.memory_space<vmem_shared>>
        tpu.enqueue_dma source(%arg11 : memref<80x128xf32, #tpu.memory_space<vmem>>) target(%dma_start3A_143 : memref<80x128xf32, #tpu.memory_space<vmem_shared>>) target_semaphore(%run_scoped3A : memref<!tpu.dma_semaphore, #tpu.memory_space<semaphore_mem>>)
        %dma_wait3A = arith.constant 0 : i32
        %dma_wait3A_144 = tpu.memref_slice %arg12[%multiple_of3A, %dma_wait3A] : memref<10000x128xf32, #tpu.memory_space<vmem_shared>> -> memref<80x128xf32, #tpu.memory_space<vmem_shared>>
        %dma_wait3A_145 = arith.constant 0 : i32
        %dma_wait3A_146 = tpu.memref_slice %arg12[%multiple_of3A, %dma_wait3A_145] : memref<10000x128xf32, #tpu.memory_space<vmem_shared>> -> memref<80x128xf32, #tpu.memory_space<vmem_shared>>
        tpu.wait_dma2 semaphore(%run_scoped3A : memref<!tpu.dma_semaphore, #tpu.memory_space<semaphore_mem>>) src(%arg11 : memref<80x128xf32, #tpu.memory_space<vmem>>) dst(%dma_wait3A_146 : memref<80x128xf32, #tpu.memory_space<vmem_shared>>)
        tpu.yield
      }) : () -> ()
    } else {
    }
    %barrier3A = arith.constant 0 : index
    tpu.barrier barrier_id(%barrier3A)
    %dma_start3A = arith.constant 0 : i32
    %dma_start3A_61 = arith.constant 0 : i32
    %dma_start3A_62 = tpu.memref_slice %arg6[%dma_start3A, %dma_start3A_61] : memref<250x40xi32, #tpu.memory_space<vmem>> -> memref<1x40xi32, #tpu.memory_space<vmem>>
    %dma_start3A_63 = tpu.memref_squeeze %dma_start3A_62 : memref<1x40xi32, #tpu.memory_space<vmem>> -> memref<40xi32, #tpu.memory_space<vmem>>
    %dma_start3A_64 = arith.constant 0 : i32
    %dma_start3A_65 = arith.constant 0 : i32
    %dma_start3A_66 = tpu.memref_slice %arg2[%dma_start3A_64, %dma_start3A_65] : memref<10000x128xf32, #tpu.memory_space<hbm>> -> memref<10000x128xf32, #tpu.memory_space<hbm>>
    tpu.enqueue_indirect_dma source(%dma_start3A_66 : memref<10000x128xf32, #tpu.memory_space<hbm>>) target(%arg8 : memref<40x128xf32, #tpu.memory_space<vmem>>) offsets(%dma_start3A_63 : memref<40xi32, #tpu.memory_space<vmem>>) semaphore(%arg13 : memref<!tpu.dma_semaphore, #tpu.memory_space<semaphore_mem>>)
    %dma_start3A_67 = arith.constant 1 : i32
    %dma_start3A_68 = arith.constant 0 : i32
    %dma_start3A_69 = tpu.memref_slice %arg6[%dma_start3A_67, %dma_start3A_68] : memref<250x40xi32, #tpu.memory_space<vmem>> -> memref<1x40xi32, #tpu.memory_space<vmem>>
    %dma_start3A_70 = tpu.memref_squeeze %dma_start3A_69 : memref<1x40xi32, #tpu.memory_space<vmem>> -> memref<40xi32, #tpu.memory_space<vmem>>
    %dma_start3A_71 = arith.constant 0 : i32
    %dma_start3A_72 = arith.constant 0 : i32
    %dma_start3A_73 = tpu.memref_slice %arg2[%dma_start3A_71, %dma_start3A_72] : memref<10000x128xf32, #tpu.memory_space<hbm>> -> memref<10000x128xf32, #tpu.memory_space<hbm>>
    tpu.enqueue_indirect_dma source(%dma_start3A_73 : memref<10000x128xf32, #tpu.memory_space<hbm>>) target(%arg9 : memref<40x128xf32, #tpu.memory_space<vmem>>) offsets(%dma_start3A_70 : memref<40xi32, #tpu.memory_space<vmem>>) semaphore(%arg14 : memref<!tpu.dma_semaphore, #tpu.memory_space<semaphore_mem>>)
    %scan3A_74 = arith.constant 0 : i32
    %scan3A_75 = arith.constant 0 : i32
    %scan3A_76 = arith.constant 125 : i32
    %scan3A_77 = arith.addi %scan3A_75, %scan3A_76 : i32
    %scan3A_78 = arith.constant 1 : i32
    %scan3A_79 = scf.for %scan3A_138 = %scan3A_75 to %scan3A_77 step %scan3A_78 iter_args(%scan3A_139 = %scan3A_74) -> (i32)  : i32 {
      %mul3A_140 = arith.constant 2 : i32
      %mul3A_141 = arith.muli %scan3A_138, %mul3A_140 : i32
      %add3A_142 = arith.constant 0 : i32
      %add3A_143 = arith.addi %mul3A_141, %add3A_142 : i32
      %dma_wait3A = arith.constant 0 : i32
      %dma_wait3A_144 = tpu.memref_slice %arg6[%add3A_143, %dma_wait3A] : memref<250x40xi32, #tpu.memory_space<vmem>> -> memref<1x40xi32, #tpu.memory_space<vmem>>
      %dma_wait3A_145 = tpu.memref_squeeze %dma_wait3A_144 : memref<1x40xi32, #tpu.memory_space<vmem>> -> memref<40xi32, #tpu.memory_space<vmem>>
      %dma_wait3A_146 = arith.constant 0 : i32
      %dma_wait3A_147 = arith.constant 0 : i32
      %dma_wait3A_148 = tpu.memref_slice %arg2[%dma_wait3A_146, %dma_wait3A_147] : memref<10000x128xf32, #tpu.memory_space<hbm>> -> memref<10000x128xf32, #tpu.memory_space<hbm>>
      tpu.wait_indirect_dma semaphore(%arg13 : memref<!tpu.dma_semaphore, #tpu.memory_space<semaphore_mem>>) src(%dma_wait3A_148 : memref<10000x128xf32, #tpu.memory_space<hbm>>) dst(%arg8 : memref<40x128xf32, #tpu.memory_space<vmem>>)
      %add3A_149 = arith.constant 0 : i32
      %add3A_150 = arith.addi %mul3A_141, %add3A_149 : i32
      "tpu.region"() ({
        %run_scoped3A = tpu.sem_alloc : memref<!tpu.dma_semaphore, #tpu.memory_space<semaphore_mem>>
        %dma_start3A_180 = arith.constant 0 : i32
        %dma_start3A_181 = tpu.memref_slice %arg7[%add3A_150, %dma_start3A_180] : memref<250x40xi32, #tpu.memory_space<vmem>> -> memref<1x40xi32, #tpu.memory_space<vmem>>
        %dma_start3A_182 = tpu.memref_squeeze %dma_start3A_181 : memref<1x40xi32, #tpu.memory_space<vmem>> -> memref<40xi32, #tpu.memory_space<vmem>>
        %dma_start3A_183 = arith.constant 0 : i32
        %dma_start3A_184 = arith.constant 0 : i32
        %dma_start3A_185 = tpu.memref_slice %arg12[%dma_start3A_183, %dma_start3A_184] : memref<10000x128xf32, #tpu.memory_space<vmem_shared>> -> memref<10000x128xf32, #tpu.memory_space<vmem_shared>>
        tpu.enqueue_indirect_dma source(%arg8 : memref<40x128xf32, #tpu.memory_space<vmem>>) target(%dma_start3A_185 : memref<10000x128xf32, #tpu.memory_space<vmem_shared>>) offsets(%dma_start3A_182 : memref<40xi32, #tpu.memory_space<vmem>>) semaphore(%run_scoped3A : memref<!tpu.dma_semaphore, #tpu.memory_space<semaphore_mem>>) {add = true}
        %dma_wait3A_186 = arith.constant 0 : i32
        %dma_wait3A_187 = tpu.memref_slice %arg7[%add3A_150, %dma_wait3A_186] : memref<250x40xi32, #tpu.memory_space<vmem>> -> memref<1x40xi32, #tpu.memory_space<vmem>>
        %dma_wait3A_188 = tpu.memref_squeeze %dma_wait3A_187 : memref<1x40xi32, #tpu.memory_space<vmem>> -> memref<40xi32, #tpu.memory_space<vmem>>
        %dma_wait3A_189 = arith.constant 0 : i32
        %dma_wait3A_190 = arith.constant 0 : i32
        %dma_wait3A_191 = tpu.memref_slice %arg12[%dma_wait3A_189, %dma_wait3A_190] : memref<10000x128xf32, #tpu.memory_space<vmem_shared>> -> memref<10000x128xf32, #tpu.memory_space<vmem_shared>>
        tpu.wait_indirect_dma semaphore(%run_scoped3A : memref<!tpu.dma_semaphore, #tpu.memory_space<semaphore_mem>>) src(%arg8 : memref<40x128xf32, #tpu.memory_space<vmem>>) dst(%dma_wait3A_191 : memref<10000x128xf32, #tpu.memory_space<vmem_shared>>)
        tpu.yield
      }) : () -> ()
      %add3A_151 = arith.constant 0 : i32
      %add3A_152 = arith.addi %mul3A_141, %add3A_151 : i32
      %add3A_153 = arith.constant 2 : i32
      %add3A_154 = arith.addi %add3A_152, %add3A_153 : i32
      %lt3A_155 = arith.constant 250 : i32
      %lt3A_156 = arith.cmpi slt, %add3A_154, %lt3A_155 : i32
      %convert_element_type3A_157 = arith.extui %lt3A_156 : i1 to i32
      %cond3A_158 = arith.constant 0 : i32
      %cond3A_159 = arith.cmpi ne, %convert_element_type3A_157, %cond3A_158 : i32
      scf.if %cond3A_159 {
        %add3A_180 = arith.constant 0 : i32
        %add3A_181 = arith.addi %mul3A_141, %add3A_180 : i32
        %add3A_182 = arith.constant 2 : i32
        %add3A_183 = arith.addi %add3A_181, %add3A_182 : i32
        %dma_start3A_184 = arith.constant 0 : i32
        %dma_start3A_185 = tpu.memref_slice %arg6[%add3A_183, %dma_start3A_184] : memref<250x40xi32, #tpu.memory_space<vmem>> -> memref<1x40xi32, #tpu.memory_space<vmem>>
        %dma_start3A_186 = tpu.memref_squeeze %dma_start3A_185 : memref<1x40xi32, #tpu.memory_space<vmem>> -> memref<40xi32, #tpu.memory_space<vmem>>
        %dma_start3A_187 = arith.constant 0 : i32
        %dma_start3A_188 = arith.constant 0 : i32
        %dma_start3A_189 = tpu.memref_slice %arg2[%dma_start3A_187, %dma_start3A_188] : memref<10000x128xf32, #tpu.memory_space<hbm>> -> memref<10000x128xf32, #tpu.memory_space<hbm>>
        tpu.enqueue_indirect_dma source(%dma_start3A_189 : memref<10000x128xf32, #tpu.memory_space<hbm>>) target(%arg8 : memref<40x128xf32, #tpu.memory_space<vmem>>) offsets(%dma_start3A_186 : memref<40xi32, #tpu.memory_space<vmem>>) semaphore(%arg13 : memref<!tpu.dma_semaphore, #tpu.memory_space<semaphore_mem>>)
      } else {
      }
      %add3A_160 = arith.constant 1 : i32
      %add3A_161 = arith.addi %mul3A_141, %add3A_160 : i32
      %dma_wait3A_162 = arith.constant 0 : i32
      %dma_wait3A_163 = tpu.memref_slice %arg6[%add3A_161, %dma_wait3A_162] : memref<250x40xi32, #tpu.memory_space<vmem>> -> memref<1x40xi32, #tpu.memory_space<vmem>>
      %dma_wait3A_164 = tpu.memref_squeeze %dma_wait3A_163 : memref<1x40xi32, #tpu.memory_space<vmem>> -> memref<40xi32, #tpu.memory_space<vmem>>
      %dma_wait3A_165 = arith.constant 0 : i32
      %dma_wait3A_166 = arith.constant 0 : i32
      %dma_wait3A_167 = tpu.memref_slice %arg2[%dma_wait3A_165, %dma_wait3A_166] : memref<10000x128xf32, #tpu.memory_space<hbm>> -> memref<10000x128xf32, #tpu.memory_space<hbm>>
      tpu.wait_indirect_dma semaphore(%arg14 : memref<!tpu.dma_semaphore, #tpu.memory_space<semaphore_mem>>) src(%dma_wait3A_167 : memref<10000x128xf32, #tpu.memory_space<hbm>>) dst(%arg9 : memref<40x128xf32, #tpu.memory_space<vmem>>)
      %add3A_168 = arith.constant 1 : i32
      %add3A_169 = arith.addi %mul3A_141, %add3A_168 : i32
      "tpu.region"() ({
        %run_scoped3A = tpu.sem_alloc : memref<!tpu.dma_semaphore, #tpu.memory_space<semaphore_mem>>
        %dma_start3A_180 = arith.constant 0 : i32
        %dma_start3A_181 = tpu.memref_slice %arg7[%add3A_169, %dma_start3A_180] : memref<250x40xi32, #tpu.memory_space<vmem>> -> memref<1x40xi32, #tpu.memory_space<vmem>>
        %dma_start3A_182 = tpu.memref_squeeze %dma_start3A_181 : memref<1x40xi32, #tpu.memory_space<vmem>> -> memref<40xi32, #tpu.memory_space<vmem>>
        %dma_start3A_183 = arith.constant 0 : i32
        %dma_start3A_184 = arith.constant 0 : i32
        %dma_start3A_185 = tpu.memref_slice %arg12[%dma_start3A_183, %dma_start3A_184] : memref<10000x128xf32, #tpu.memory_space<vmem_shared>> -> memref<10000x128xf32, #tpu.memory_space<vmem_shared>>
        tpu.enqueue_indirect_dma source(%arg9 : memref<40x128xf32, #tpu.memory_space<vmem>>) target(%dma_start3A_185 : memref<10000x128xf32, #tpu.memory_space<vmem_shared>>) offsets(%dma_start3A_182 : memref<40xi32, #tpu.memory_space<vmem>>) semaphore(%run_scoped3A : memref<!tpu.dma_semaphore, #tpu.memory_space<semaphore_mem>>) {add = true}
        %dma_wait3A_186 = arith.constant 0 : i32
        %dma_wait3A_187 = tpu.memref_slice %arg7[%add3A_169, %dma_wait3A_186] : memref<250x40xi32, #tpu.memory_space<vmem>> -> memref<1x40xi32, #tpu.memory_space<vmem>>
        %dma_wait3A_188 = tpu.memref_squeeze %dma_wait3A_187 : memref<1x40xi32, #tpu.memory_space<vmem>> -> memref<40xi32, #tpu.memory_space<vmem>>
        %dma_wait3A_189 = arith.constant 0 : i32
        %dma_wait3A_190 = arith.constant 0 : i32
        %dma_wait3A_191 = tpu.memref_slice %arg12[%dma_wait3A_189, %dma_wait3A_190] : memref<10000x128xf32, #tpu.memory_space<vmem_shared>> -> memref<10000x128xf32, #tpu.memory_space<vmem_shared>>
        tpu.wait_indirect_dma semaphore(%run_scoped3A : memref<!tpu.dma_semaphore, #tpu.memory_space<semaphore_mem>>) src(%arg9 : memref<40x128xf32, #tpu.memory_space<vmem>>) dst(%dma_wait3A_191 : memref<10000x128xf32, #tpu.memory_space<vmem_shared>>)
        tpu.yield
      }) : () -> ()
      %add3A_170 = arith.constant 1 : i32
      %add3A_171 = arith.addi %mul3A_141, %add3A_170 : i32
      %add3A_172 = arith.constant 2 : i32
      %add3A_173 = arith.addi %add3A_171, %add3A_172 : i32
      %lt3A_174 = arith.constant 250 : i32
      %lt3A_175 = arith.cmpi slt, %add3A_173, %lt3A_174 : i32
      %convert_element_type3A_176 = arith.extui %lt3A_175 : i1 to i32
      %cond3A_177 = arith.constant 0 : i32
      %cond3A_178 = arith.cmpi ne, %convert_element_type3A_176, %cond3A_177 : i32
      scf.if %cond3A_178 {
        %add3A_180 = arith.constant 1 : i32
        %add3A_181 = arith.addi %mul3A_141, %add3A_180 : i32
        %add3A_182 = arith.constant 2 : i32
        %add3A_183 = arith.addi %add3A_181, %add3A_182 : i32
        %dma_start3A_184 = arith.constant 0 : i32
        %dma_start3A_185 = tpu.memref_slice %arg6[%add3A_183, %dma_start3A_184] : memref<250x40xi32, #tpu.memory_space<vmem>> -> memref<1x40xi32, #tpu.memory_space<vmem>>
        %dma_start3A_186 = tpu.memref_squeeze %dma_start3A_185 : memref<1x40xi32, #tpu.memory_space<vmem>> -> memref<40xi32, #tpu.memory_space<vmem>>
        %dma_start3A_187 = arith.constant 0 : i32
        %dma_start3A_188 = arith.constant 0 : i32
        %dma_start3A_189 = tpu.memref_slice %arg2[%dma_start3A_187, %dma_start3A_188] : memref<10000x128xf32, #tpu.memory_space<hbm>> -> memref<10000x128xf32, #tpu.memory_space<hbm>>
        tpu.enqueue_indirect_dma source(%dma_start3A_189 : memref<10000x128xf32, #tpu.memory_space<hbm>>) target(%arg9 : memref<40x128xf32, #tpu.memory_space<vmem>>) offsets(%dma_start3A_186 : memref<40xi32, #tpu.memory_space<vmem>>) semaphore(%arg14 : memref<!tpu.dma_semaphore, #tpu.memory_space<semaphore_mem>>)
      } else {
      }
      %scan3A_179 = arith.constant 0 : i32
      scf.yield %scan3A_179 : i32
    }
    %scan3A_80 = arith.constant 125 : i32
    %barrier3A_81 = arith.constant 0 : index
    tpu.barrier barrier_id(%barrier3A_81)
    %add3A_82 = arith.constant 0 : i32
    %add3A_83 = arith.addi %arg1, %add3A_82 : i32
    %lt3A_84 = arith.constant 125 : i32
    %lt3A_85 = arith.cmpi slt, %add3A_83, %lt3A_84 : i32
    %convert_element_type3A_86 = arith.extui %lt3A_85 : i1 to i32
    %cond3A_87 = arith.constant 0 : i32
    %cond3A_88 = arith.cmpi ne, %convert_element_type3A_86, %cond3A_87 : i32
    scf.if %cond3A_88 {
      %mul3A_138 = arith.constant 80 : i32
      %mul3A_139 = arith.muli %add3A_83, %mul3A_138 : i32
      %multiple_of3A = tpu.assume_multiple %mul3A_139, 80 : i32
      "tpu.region"() ({
        %run_scoped3A = tpu.sem_alloc : memref<!tpu.dma_semaphore, #tpu.memory_space<semaphore_mem>>
        %dma_start3A_140 = arith.constant 0 : i32
        %dma_start3A_141 = tpu.memref_slice %arg5[%arg0, %multiple_of3A, %dma_start3A_140] : memref<2x10000x128xf32, #tpu.memory_space<hbm>> -> memref<1x80x128xf32, #tpu.memory_space<hbm>>
        %dma_start3A_142 = tpu.memref_squeeze %dma_start3A_141 : memref<1x80x128xf32, #tpu.memory_space<hbm>> -> memref<80x128xf32, #tpu.memory_space<hbm>>
        %dma_start3A_143 = arith.constant 0 : i32
        %dma_start3A_144 = tpu.memref_slice %arg12[%multiple_of3A, %dma_start3A_143] : memref<10000x128xf32, #tpu.memory_space<vmem_shared>> -> memref<80x128xf32, #tpu.memory_space<vmem_shared>>
        tpu.enqueue_dma source(%dma_start3A_144 : memref<80x128xf32, #tpu.memory_space<vmem_shared>>) target(%dma_start3A_142 : memref<80x128xf32, #tpu.memory_space<hbm>>) target_semaphore(%run_scoped3A : memref<!tpu.dma_semaphore, #tpu.memory_space<semaphore_mem>>)
        %dma_wait3A = arith.constant 0 : i32
        %dma_wait3A_145 = tpu.memref_slice %arg5[%arg0, %multiple_of3A, %dma_wait3A] : memref<2x10000x128xf32, #tpu.memory_space<hbm>> -> memref<1x80x128xf32, #tpu.memory_space<hbm>>
        %dma_wait3A_146 = tpu.memref_squeeze %dma_wait3A_145 : memref<1x80x128xf32, #tpu.memory_space<hbm>> -> memref<80x128xf32, #tpu.memory_space<hbm>>
        %dma_wait3A_147 = arith.constant 0 : i32
        %dma_wait3A_148 = tpu.memref_slice %arg12[%multiple_of3A, %dma_wait3A_147] : memref<10000x128xf32, #tpu.memory_space<vmem_shared>> -> memref<80x128xf32, #tpu.memory_space<vmem_shared>>
        tpu.wait_dma2 semaphore(%run_scoped3A : memref<!tpu.dma_semaphore, #tpu.memory_space<semaphore_mem>>) src(%dma_wait3A_148 : memref<80x128xf32, #tpu.memory_space<vmem_shared>>) dst(%dma_wait3A_146 : memref<80x128xf32, #tpu.memory_space<hbm>>)
        tpu.yield
      }) : () -> ()
    } else {
    }
    %add3A_89 = arith.constant 16 : i32
    %add3A_90 = arith.addi %arg1, %add3A_89 : i32
    %lt3A_91 = arith.constant 125 : i32
    %lt3A_92 = arith.cmpi slt, %add3A_90, %lt3A_91 : i32
    %convert_element_type3A_93 = arith.extui %lt3A_92 : i1 to i32
    %cond3A_94 = arith.constant 0 : i32
    %cond3A_95 = arith.cmpi ne, %convert_element_type3A_93, %cond3A_94 : i32
    scf.if %cond3A_95 {
      %mul3A_138 = arith.constant 80 : i32
      %mul3A_139 = arith.muli %add3A_90, %mul3A_138 : i32
      %multiple_of3A = tpu.assume_multiple %mul3A_139, 80 : i32
      "tpu.region"() ({
        %run_scoped3A = tpu.sem_alloc : memref<!tpu.dma_semaphore, #tpu.memory_space<semaphore_mem>>
        %dma_start3A_140 = arith.constant 0 : i32
        %dma_start3A_141 = tpu.memref_slice %arg5[%arg0, %multiple_of3A, %dma_start3A_140] : memref<2x10000x128xf32, #tpu.memory_space<hbm>> -> memref<1x80x128xf32, #tpu.memory_space<hbm>>
        %dma_start3A_142 = tpu.memref_squeeze %dma_start3A_141 : memref<1x80x128xf32, #tpu.memory_space<hbm>> -> memref<80x128xf32, #tpu.memory_space<hbm>>
        %dma_start3A_143 = arith.constant 0 : i32
        %dma_start3A_144 = tpu.memref_slice %arg12[%multiple_of3A, %dma_start3A_143] : memref<10000x128xf32, #tpu.memory_space<vmem_shared>> -> memref<80x128xf32, #tpu.memory_space<vmem_shared>>
        tpu.enqueue_dma source(%dma_start3A_144 : memref<80x128xf32, #tpu.memory_space<vmem_shared>>) target(%dma_start3A_142 : memref<80x128xf32, #tpu.memory_space<hbm>>) target_semaphore(%run_scoped3A : memref<!tpu.dma_semaphore, #tpu.memory_space<semaphore_mem>>)
        %dma_wait3A = arith.constant 0 : i32
        %dma_wait3A_145 = tpu.memref_slice %arg5[%arg0, %multiple_of3A, %dma_wait3A] : memref<2x10000x128xf32, #tpu.memory_space<hbm>> -> memref<1x80x128xf32, #tpu.memory_space<hbm>>
        %dma_wait3A_146 = tpu.memref_squeeze %dma_wait3A_145 : memref<1x80x128xf32, #tpu.memory_space<hbm>> -> memref<80x128xf32, #tpu.memory_space<hbm>>
        %dma_wait3A_147 = arith.constant 0 : i32
        %dma_wait3A_148 = tpu.memref_slice %arg12[%multiple_of3A, %dma_wait3A_147] : memref<10000x128xf32, #tpu.memory_space<vmem_shared>> -> memref<80x128xf32, #tpu.memory_space<vmem_shared>>
        tpu.wait_dma2 semaphore(%run_scoped3A : memref<!tpu.dma_semaphore, #tpu.memory_space<semaphore_mem>>) src(%dma_wait3A_148 : memref<80x128xf32, #tpu.memory_space<vmem_shared>>) dst(%dma_wait3A_146 : memref<80x128xf32, #tpu.memory_space<hbm>>)
        tpu.yield
      }) : () -> ()
    } else {
    }
    %add3A_96 = arith.constant 32 : i32
    %add3A_97 = arith.addi %arg1, %add3A_96 : i32
    %lt3A_98 = arith.constant 125 : i32
    %lt3A_99 = arith.cmpi slt, %add3A_97, %lt3A_98 : i32
    %convert_element_type3A_100 = arith.extui %lt3A_99 : i1 to i32
    %cond3A_101 = arith.constant 0 : i32
    %cond3A_102 = arith.cmpi ne, %convert_element_type3A_100, %cond3A_101 : i32
    scf.if %cond3A_102 {
      %mul3A_138 = arith.constant 80 : i32
      %mul3A_139 = arith.muli %add3A_97, %mul3A_138 : i32
      %multiple_of3A = tpu.assume_multiple %mul3A_139, 80 : i32
      "tpu.region"() ({
        %run_scoped3A = tpu.sem_alloc : memref<!tpu.dma_semaphore, #tpu.memory_space<semaphore_mem>>
        %dma_start3A_140 = arith.constant 0 : i32
        %dma_start3A_141 = tpu.memref_slice %arg5[%arg0, %multiple_of3A, %dma_start3A_140] : memref<2x10000x128xf32, #tpu.memory_space<hbm>> -> memref<1x80x128xf32, #tpu.memory_space<hbm>>
        %dma_start3A_142 = tpu.memref_squeeze %dma_start3A_141 : memref<1x80x128xf32, #tpu.memory_space<hbm>> -> memref<80x128xf32, #tpu.memory_space<hbm>>
        %dma_start3A_143 = arith.constant 0 : i32
        %dma_start3A_144 = tpu.memref_slice %arg12[%multiple_of3A, %dma_start3A_143] : memref<10000x128xf32, #tpu.memory_space<vmem_shared>> -> memref<80x128xf32, #tpu.memory_space<vmem_shared>>
        tpu.enqueue_dma source(%dma_start3A_144 : memref<80x128xf32, #tpu.memory_space<vmem_shared>>) target(%dma_start3A_142 : memref<80x128xf32, #tpu.memory_space<hbm>>) target_semaphore(%run_scoped3A : memref<!tpu.dma_semaphore, #tpu.memory_space<semaphore_mem>>)
        %dma_wait3A = arith.constant 0 : i32
        %dma_wait3A_145 = tpu.memref_slice %arg5[%arg0, %multiple_of3A, %dma_wait3A] : memref<2x10000x128xf32, #tpu.memory_space<hbm>> -> memref<1x80x128xf32, #tpu.memory_space<hbm>>
        %dma_wait3A_146 = tpu.memref_squeeze %dma_wait3A_145 : memref<1x80x128xf32, #tpu.memory_space<hbm>> -> memref<80x128xf32, #tpu.memory_space<hbm>>
        %dma_wait3A_147 = arith.constant 0 : i32
        %dma_wait3A_148 = tpu.memref_slice %arg12[%multiple_of3A, %dma_wait3A_147] : memref<10000x128xf32, #tpu.memory_space<vmem_shared>> -> memref<80x128xf32, #tpu.memory_space<vmem_shared>>
        tpu.wait_dma2 semaphore(%run_scoped3A : memref<!tpu.dma_semaphore, #tpu.memory_space<semaphore_mem>>) src(%dma_wait3A_148 : memref<80x128xf32, #tpu.memory_space<vmem_shared>>) dst(%dma_wait3A_146 : memref<80x128xf32, #tpu.memory_space<hbm>>)
        tpu.yield
      }) : () -> ()
    } else {
    }
    %add3A_103 = arith.constant 48 : i32
    %add3A_104 = arith.addi %arg1, %add3A_103 : i32
    %lt3A_105 = arith.constant 125 : i32
    %lt3A_106 = arith.cmpi slt, %add3A_104, %lt3A_105 : i32
    %convert_element_type3A_107 = arith.extui %lt3A_106 : i1 to i32
    %cond3A_108 = arith.constant 0 : i32
    %cond3A_109 = arith.cmpi ne, %convert_element_type3A_107, %cond3A_108 : i32
    scf.if %cond3A_109 {
      %mul3A_138 = arith.constant 80 : i32
      %mul3A_139 = arith.muli %add3A_104, %mul3A_138 : i32
      %multiple_of3A = tpu.assume_multiple %mul3A_139, 80 : i32
      "tpu.region"() ({
        %run_scoped3A = tpu.sem_alloc : memref<!tpu.dma_semaphore, #tpu.memory_space<semaphore_mem>>
        %dma_start3A_140 = arith.constant 0 : i32
        %dma_start3A_141 = tpu.memref_slice %arg5[%arg0, %multiple_of3A, %dma_start3A_140] : memref<2x10000x128xf32, #tpu.memory_space<hbm>> -> memref<1x80x128xf32, #tpu.memory_space<hbm>>
        %dma_start3A_142 = tpu.memref_squeeze %dma_start3A_141 : memref<1x80x128xf32, #tpu.memory_space<hbm>> -> memref<80x128xf32, #tpu.memory_space<hbm>>
        %dma_start3A_143 = arith.constant 0 : i32
        %dma_start3A_144 = tpu.memref_slice %arg12[%multiple_of3A, %dma_start3A_143] : memref<10000x128xf32, #tpu.memory_space<vmem_shared>> -> memref<80x128xf32, #tpu.memory_space<vmem_shared>>
        tpu.enqueue_dma source(%dma_start3A_144 : memref<80x128xf32, #tpu.memory_space<vmem_shared>>) target(%dma_start3A_142 : memref<80x128xf32, #tpu.memory_space<hbm>>) target_semaphore(%run_scoped3A : memref<!tpu.dma_semaphore, #tpu.memory_space<semaphore_mem>>)
        %dma_wait3A = arith.constant 0 : i32
        %dma_wait3A_145 = tpu.memref_slice %arg5[%arg0, %multiple_of3A, %dma_wait3A] : memref<2x10000x128xf32, #tpu.memory_space<hbm>> -> memref<1x80x128xf32, #tpu.memory_space<hbm>>
        %dma_wait3A_146 = tpu.memref_squeeze %dma_wait3A_145 : memref<1x80x128xf32, #tpu.memory_space<hbm>> -> memref<80x128xf32, #tpu.memory_space<hbm>>
        %dma_wait3A_147 = arith.constant 0 : i32
        %dma_wait3A_148 = tpu.memref_slice %arg12[%multiple_of3A, %dma_wait3A_147] : memref<10000x128xf32, #tpu.memory_space<vmem_shared>> -> memref<80x128xf32, #tpu.memory_space<vmem_shared>>
        tpu.wait_dma2 semaphore(%run_scoped3A : memref<!tpu.dma_semaphore, #tpu.memory_space<semaphore_mem>>) src(%dma_wait3A_148 : memref<80x128xf32, #tpu.memory_space<vmem_shared>>) dst(%dma_wait3A_146 : memref<80x128xf32, #tpu.memory_space<hbm>>)
        tpu.yield
      }) : () -> ()
    } else {
    }
    %add3A_110 = arith.constant 64 : i32
    %add3A_111 = arith.addi %arg1, %add3A_110 : i32
    %lt3A_112 = arith.constant 125 : i32
    %lt3A_113 = arith.cmpi slt, %add3A_111, %lt3A_112 : i32
    %convert_element_type3A_114 = arith.extui %lt3A_113 : i1 to i32
    %cond3A_115 = arith.constant 0 : i32
    %cond3A_116 = arith.cmpi ne, %convert_element_type3A_114, %cond3A_115 : i32
    scf.if %cond3A_116 {
      %mul3A_138 = arith.constant 80 : i32
      %mul3A_139 = arith.muli %add3A_111, %mul3A_138 : i32
      %multiple_of3A = tpu.assume_multiple %mul3A_139, 80 : i32
      "tpu.region"() ({
        %run_scoped3A = tpu.sem_alloc : memref<!tpu.dma_semaphore, #tpu.memory_space<semaphore_mem>>
        %dma_start3A_140 = arith.constant 0 : i32
        %dma_start3A_141 = tpu.memref_slice %arg5[%arg0, %multiple_of3A, %dma_start3A_140] : memref<2x10000x128xf32, #tpu.memory_space<hbm>> -> memref<1x80x128xf32, #tpu.memory_space<hbm>>
        %dma_start3A_142 = tpu.memref_squeeze %dma_start3A_141 : memref<1x80x128xf32, #tpu.memory_space<hbm>> -> memref<80x128xf32, #tpu.memory_space<hbm>>
        %dma_start3A_143 = arith.constant 0 : i32
        %dma_start3A_144 = tpu.memref_slice %arg12[%multiple_of3A, %dma_start3A_143] : memref<10000x128xf32, #tpu.memory_space<vmem_shared>> -> memref<80x128xf32, #tpu.memory_space<vmem_shared>>
        tpu.enqueue_dma source(%dma_start3A_144 : memref<80x128xf32, #tpu.memory_space<vmem_shared>>) target(%dma_start3A_142 : memref<80x128xf32, #tpu.memory_space<hbm>>) target_semaphore(%run_scoped3A : memref<!tpu.dma_semaphore, #tpu.memory_space<semaphore_mem>>)
        %dma_wait3A = arith.constant 0 : i32
        %dma_wait3A_145 = tpu.memref_slice %arg5[%arg0, %multiple_of3A, %dma_wait3A] : memref<2x10000x128xf32, #tpu.memory_space<hbm>> -> memref<1x80x128xf32, #tpu.memory_space<hbm>>
        %dma_wait3A_146 = tpu.memref_squeeze %dma_wait3A_145 : memref<1x80x128xf32, #tpu.memory_space<hbm>> -> memref<80x128xf32, #tpu.memory_space<hbm>>
        %dma_wait3A_147 = arith.constant 0 : i32
        %dma_wait3A_148 = tpu.memref_slice %arg12[%multiple_of3A, %dma_wait3A_147] : memref<10000x128xf32, #tpu.memory_space<vmem_shared>> -> memref<80x128xf32, #tpu.memory_space<vmem_shared>>
        tpu.wait_dma2 semaphore(%run_scoped3A : memref<!tpu.dma_semaphore, #tpu.memory_space<semaphore_mem>>) src(%dma_wait3A_148 : memref<80x128xf32, #tpu.memory_space<vmem_shared>>) dst(%dma_wait3A_146 : memref<80x128xf32, #tpu.memory_space<hbm>>)
        tpu.yield
      }) : () -> ()
    } else {
    }
    %add3A_117 = arith.constant 80 : i32
    %add3A_118 = arith.addi %arg1, %add3A_117 : i32
    %lt3A_119 = arith.constant 125 : i32
    %lt3A_120 = arith.cmpi slt, %add3A_118, %lt3A_119 : i32
    %convert_element_type3A_121 = arith.extui %lt3A_120 : i1 to i32
    %cond3A_122 = arith.constant 0 : i32
    %cond3A_123 = arith.cmpi ne, %convert_element_type3A_121, %cond3A_122 : i32
    scf.if %cond3A_123 {
      %mul3A_138 = arith.constant 80 : i32
      %mul3A_139 = arith.muli %add3A_118, %mul3A_138 : i32
      %multiple_of3A = tpu.assume_multiple %mul3A_139, 80 : i32
      "tpu.region"() ({
        %run_scoped3A = tpu.sem_alloc : memref<!tpu.dma_semaphore, #tpu.memory_space<semaphore_mem>>
        %dma_start3A_140 = arith.constant 0 : i32
        %dma_start3A_141 = tpu.memref_slice %arg5[%arg0, %multiple_of3A, %dma_start3A_140] : memref<2x10000x128xf32, #tpu.memory_space<hbm>> -> memref<1x80x128xf32, #tpu.memory_space<hbm>>
        %dma_start3A_142 = tpu.memref_squeeze %dma_start3A_141 : memref<1x80x128xf32, #tpu.memory_space<hbm>> -> memref<80x128xf32, #tpu.memory_space<hbm>>
        %dma_start3A_143 = arith.constant 0 : i32
        %dma_start3A_144 = tpu.memref_slice %arg12[%multiple_of3A, %dma_start3A_143] : memref<10000x128xf32, #tpu.memory_space<vmem_shared>> -> memref<80x128xf32, #tpu.memory_space<vmem_shared>>
        tpu.enqueue_dma source(%dma_start3A_144 : memref<80x128xf32, #tpu.memory_space<vmem_shared>>) target(%dma_start3A_142 : memref<80x128xf32, #tpu.memory_space<hbm>>) target_semaphore(%run_scoped3A : memref<!tpu.dma_semaphore, #tpu.memory_space<semaphore_mem>>)
        %dma_wait3A = arith.constant 0 : i32
        %dma_wait3A_145 = tpu.memref_slice %arg5[%arg0, %multiple_of3A, %dma_wait3A] : memref<2x10000x128xf32, #tpu.memory_space<hbm>> -> memref<1x80x128xf32, #tpu.memory_space<hbm>>
        %dma_wait3A_146 = tpu.memref_squeeze %dma_wait3A_145 : memref<1x80x128xf32, #tpu.memory_space<hbm>> -> memref<80x128xf32, #tpu.memory_space<hbm>>
        %dma_wait3A_147 = arith.constant 0 : i32
        %dma_wait3A_148 = tpu.memref_slice %arg12[%multiple_of3A, %dma_wait3A_147] : memref<10000x128xf32, #tpu.memory_space<vmem_shared>> -> memref<80x128xf32, #tpu.memory_space<vmem_shared>>
        tpu.wait_dma2 semaphore(%run_scoped3A : memref<!tpu.dma_semaphore, #tpu.memory_space<semaphore_mem>>) src(%dma_wait3A_148 : memref<80x128xf32, #tpu.memory_space<vmem_shared>>) dst(%dma_wait3A_146 : memref<80x128xf32, #tpu.memory_space<hbm>>)
        tpu.yield
      }) : () -> ()
    } else {
    }
    %add3A_124 = arith.constant 96 : i32
    %add3A_125 = arith.addi %arg1, %add3A_124 : i32
    %lt3A_126 = arith.constant 125 : i32
    %lt3A_127 = arith.cmpi slt, %add3A_125, %lt3A_126 : i32
    %convert_element_type3A_128 = arith.extui %lt3A_127 : i1 to i32
    %cond3A_129 = arith.constant 0 : i32
    %cond3A_130 = arith.cmpi ne, %convert_element_type3A_128, %cond3A_129 : i32
    scf.if %cond3A_130 {
      %mul3A_138 = arith.constant 80 : i32
      %mul3A_139 = arith.muli %add3A_125, %mul3A_138 : i32
      %multiple_of3A = tpu.assume_multiple %mul3A_139, 80 : i32
      "tpu.region"() ({
        %run_scoped3A = tpu.sem_alloc : memref<!tpu.dma_semaphore, #tpu.memory_space<semaphore_mem>>
        %dma_start3A_140 = arith.constant 0 : i32
        %dma_start3A_141 = tpu.memref_slice %arg5[%arg0, %multiple_of3A, %dma_start3A_140] : memref<2x10000x128xf32, #tpu.memory_space<hbm>> -> memref<1x80x128xf32, #tpu.memory_space<hbm>>
        %dma_start3A_142 = tpu.memref_squeeze %dma_start3A_141 : memref<1x80x128xf32, #tpu.memory_space<hbm>> -> memref<80x128xf32, #tpu.memory_space<hbm>>
        %dma_start3A_143 = arith.constant 0 : i32
        %dma_start3A_144 = tpu.memref_slice %arg12[%multiple_of3A, %dma_start3A_143] : memref<10000x128xf32, #tpu.memory_space<vmem_shared>> -> memref<80x128xf32, #tpu.memory_space<vmem_shared>>
        tpu.enqueue_dma source(%dma_start3A_144 : memref<80x128xf32, #tpu.memory_space<vmem_shared>>) target(%dma_start3A_142 : memref<80x128xf32, #tpu.memory_space<hbm>>) target_semaphore(%run_scoped3A : memref<!tpu.dma_semaphore, #tpu.memory_space<semaphore_mem>>)
        %dma_wait3A = arith.constant 0 : i32
        %dma_wait3A_145 = tpu.memref_slice %arg5[%arg0, %multiple_of3A, %dma_wait3A] : memref<2x10000x128xf32, #tpu.memory_space<hbm>> -> memref<1x80x128xf32, #tpu.memory_space<hbm>>
        %dma_wait3A_146 = tpu.memref_squeeze %dma_wait3A_145 : memref<1x80x128xf32, #tpu.memory_space<hbm>> -> memref<80x128xf32, #tpu.memory_space<hbm>>
        %dma_wait3A_147 = arith.constant 0 : i32
        %dma_wait3A_148 = tpu.memref_slice %arg12[%multiple_of3A, %dma_wait3A_147] : memref<10000x128xf32, #tpu.memory_space<vmem_shared>> -> memref<80x128xf32, #tpu.memory_space<vmem_shared>>
        tpu.wait_dma2 semaphore(%run_scoped3A : memref<!tpu.dma_semaphore, #tpu.memory_space<semaphore_mem>>) src(%dma_wait3A_148 : memref<80x128xf32, #tpu.memory_space<vmem_shared>>) dst(%dma_wait3A_146 : memref<80x128xf32, #tpu.memory_space<hbm>>)
        tpu.yield
      }) : () -> ()
    } else {
    }
    %add3A_131 = arith.constant 112 : i32
    %add3A_132 = arith.addi %arg1, %add3A_131 : i32
    %lt3A_133 = arith.constant 125 : i32
    %lt3A_134 = arith.cmpi slt, %add3A_132, %lt3A_133 : i32
    %convert_element_type3A_135 = arith.extui %lt3A_134 : i1 to i32
    %cond3A_136 = arith.constant 0 : i32
    %cond3A_137 = arith.cmpi ne, %convert_element_type3A_135, %cond3A_136 : i32
    scf.if %cond3A_137 {
      %mul3A_138 = arith.constant 80 : i32
      %mul3A_139 = arith.muli %add3A_132, %mul3A_138 : i32
      %multiple_of3A = tpu.assume_multiple %mul3A_139, 80 : i32
      "tpu.region"() ({
        %run_scoped3A = tpu.sem_alloc : memref<!tpu.dma_semaphore, #tpu.memory_space<semaphore_mem>>
        %dma_start3A_140 = arith.constant 0 : i32
        %dma_start3A_141 = tpu.memref_slice %arg5[%arg0, %multiple_of3A, %dma_start3A_140] : memref<2x10000x128xf32, #tpu.memory_space<hbm>> -> memref<1x80x128xf32, #tpu.memory_space<hbm>>
        %dma_start3A_142 = tpu.memref_squeeze %dma_start3A_141 : memref<1x80x128xf32, #tpu.memory_space<hbm>> -> memref<80x128xf32, #tpu.memory_space<hbm>>
        %dma_start3A_143 = arith.constant 0 : i32
        %dma_start3A_144 = tpu.memref_slice %arg12[%multiple_of3A, %dma_start3A_143] : memref<10000x128xf32, #tpu.memory_space<vmem_shared>> -> memref<80x128xf32, #tpu.memory_space<vmem_shared>>
        tpu.enqueue_dma source(%dma_start3A_144 : memref<80x128xf32, #tpu.memory_space<vmem_shared>>) target(%dma_start3A_142 : memref<80x128xf32, #tpu.memory_space<hbm>>) target_semaphore(%run_scoped3A : memref<!tpu.dma_semaphore, #tpu.memory_space<semaphore_mem>>)
        %dma_wait3A = arith.constant 0 : i32
        %dma_wait3A_145 = tpu.memref_slice %arg5[%arg0, %multiple_of3A, %dma_wait3A] : memref<2x10000x128xf32, #tpu.memory_space<hbm>> -> memref<1x80x128xf32, #tpu.memory_space<hbm>>
        %dma_wait3A_146 = tpu.memref_squeeze %dma_wait3A_145 : memref<1x80x128xf32, #tpu.memory_space<hbm>> -> memref<80x128xf32, #tpu.memory_space<hbm>>
        %dma_wait3A_147 = arith.constant 0 : i32
        %dma_wait3A_148 = tpu.memref_slice %arg12[%multiple_of3A, %dma_wait3A_147] : memref<10000x128xf32, #tpu.memory_space<vmem_shared>> -> memref<80x128xf32, #tpu.memory_space<vmem_shared>>
        tpu.wait_dma2 semaphore(%run_scoped3A : memref<!tpu.dma_semaphore, #tpu.memory_space<semaphore_mem>>) src(%dma_wait3A_148 : memref<80x128xf32, #tpu.memory_space<vmem_shared>>) dst(%dma_wait3A_146 : memref<80x128xf32, #tpu.memory_space<hbm>>)
        tpu.yield
      }) : () -> ()
    } else {
    }
    return
  }
}

module attributes {stable_mosaic.version = 14 : i64} {
  func.func @_tc_mlp_body(%arg0: i32, %arg1: memref<5000x128xf32, #tpu.memory_space<vmem>>, %arg2: memref<2x5000x128xf32, #tpu.memory_space<vmem>>, %arg3: memref<128x128xf32, #tpu.memory_space<vmem>>, %arg4: memref<1x128xf32, #tpu.memory_space<vmem>>, %arg5: memref<128x128xf32, #tpu.memory_space<vmem>>, %arg6: memref<1x128xf32, #tpu.memory_space<vmem>>, %arg7: memref<5000x128xf32, #tpu.memory_space<vmem>>) attributes {dimension_semantics = [#tpu.dimension_semantics<arbitrary>], iteration_bounds = array<i64: 2>, scalar_prefetch = 0 : i64, scratch_operands = 0 : i64, tpu.core_type = #tpu.core_type<tc>, window_params = [{transform_indices = @transform_0, window_bounds = array<i64: 5000, 128>}, {transform_indices = @transform_1, window_bounds = array<i64: 2, 5000, 128>}, {pipeline_mode = #tpu.pipeline_mode<synchronous>, transform_indices = @transform_2, window_bounds = array<i64: 128, 128>}, {pipeline_mode = #tpu.pipeline_mode<synchronous>, transform_indices = @transform_3, window_bounds = array<i64: 1, 128>}, {pipeline_mode = #tpu.pipeline_mode<synchronous>, transform_indices = @transform_4, window_bounds = array<i64: 128, 128>}, {pipeline_mode = #tpu.pipeline_mode<synchronous>, transform_indices = @transform_5, window_bounds = array<i64: 1, 128>}, {transform_indices = @transform_6, window_bounds = array<i64: 5000, 128>}]} {
    %get3A = arith.constant 0 : index
    %get3A_0 = arith.constant 0 : index
    %get3A_1 = vector.load %arg1[%get3A, %get3A_0] : memref<5000x128xf32, #tpu.memory_space<vmem>>, vector<5000x128xf32>
    %get3A_2 = arith.constant 0 : index
    %get3A_3 = arith.constant 0 : index
    %get3A_4 = arith.constant 0 : index
    %get3A_5 = vector.load %arg2[%get3A_2, %get3A_3, %get3A_4] : memref<2x5000x128xf32, #tpu.memory_space<vmem>>, vector<1x5000x128xf32>
    %get3A_6 = vector.shape_cast %get3A_5 : vector<1x5000x128xf32> to vector<5000x128xf32>
    %add3A = arith.addf %get3A_1, %get3A_6 : vector<5000x128xf32>
    %get3A_7 = arith.constant 1 : index
    %get3A_8 = arith.constant 0 : index
    %get3A_9 = arith.constant 0 : index
    %get3A_10 = vector.load %arg2[%get3A_7, %get3A_8, %get3A_9] : memref<2x5000x128xf32, #tpu.memory_space<vmem>>, vector<1x5000x128xf32>
    %get3A_11 = vector.shape_cast %get3A_10 : vector<1x5000x128xf32> to vector<5000x128xf32>
    %add3A_12 = arith.addf %add3A, %get3A_11 : vector<5000x128xf32>
    %get3A_13 = arith.constant 0 : index
    %get3A_14 = arith.constant 0 : index
    %get3A_15 = vector.load %arg3[%get3A_13, %get3A_14] : memref<128x128xf32, #tpu.memory_space<vmem>>, vector<128x128xf32>
    %dot_general3A = arith.constant dense<0.000000e+00> : vector<5000x128xf32>
    %dot_general3A_16 = tpu.matmul %add3A_12, %get3A_15, %dot_general3A {dimension_numbers = #tpu.dot_dimension_numbers<[1], [1], [0], [0], [0, 0, 1, 0], [], []>, transpose_lhs_hint = false} : vector<5000x128xf32>, vector<128x128xf32>, vector<5000x128xf32> -> vector<5000x128xf32>
    %get3A_17 = arith.constant 0 : index
    %get3A_18 = arith.constant 0 : index
    %get3A_19 = vector.load %arg4[%get3A_17, %get3A_18] : memref<1x128xf32, #tpu.memory_space<vmem>>, vector<1x128xf32>
    %add3A_20 = vector.broadcast %get3A_19 : vector<1x128xf32> to vector<5000x128xf32>
    %add3A_21 = arith.addf %dot_general3A_16, %add3A_20 : vector<5000x128xf32>
    %max3A = arith.constant 0.000000e+00 : f32
    %max3A_22 = vector.broadcast %max3A : f32 to vector<5000x128xf32>
    %max3A_23 = arith.maximumf %add3A_21, %max3A_22 : vector<5000x128xf32>
    %get3A_24 = arith.constant 0 : index
    %get3A_25 = arith.constant 0 : index
    %get3A_26 = vector.load %arg5[%get3A_24, %get3A_25] : memref<128x128xf32, #tpu.memory_space<vmem>>, vector<128x128xf32>
    %dot_general3A_27 = arith.constant dense<0.000000e+00> : vector<5000x128xf32>
    %dot_general3A_28 = tpu.matmul %max3A_23, %get3A_26, %dot_general3A_27 {dimension_numbers = #tpu.dot_dimension_numbers<[1], [1], [0], [0], [0, 0, 1, 0], [], []>, transpose_lhs_hint = false} : vector<5000x128xf32>, vector<128x128xf32>, vector<5000x128xf32> -> vector<5000x128xf32>
    %get3A_29 = arith.constant 0 : index
    %get3A_30 = arith.constant 0 : index
    %get3A_31 = vector.load %arg6[%get3A_29, %get3A_30] : memref<1x128xf32, #tpu.memory_space<vmem>>, vector<1x128xf32>
    %add3A_32 = vector.broadcast %get3A_31 : vector<1x128xf32> to vector<5000x128xf32>
    %add3A_33 = arith.addf %dot_general3A_28, %add3A_32 : vector<5000x128xf32>
    %swap3A = arith.constant 0 : index
    %swap3A_34 = arith.constant 0 : index
    %swap3A_35 = vector.load %arg7[%swap3A, %swap3A_34] : memref<5000x128xf32, #tpu.memory_space<vmem>>, vector<5000x128xf32>
    tpu.vector_store %arg7[%swap3A, %swap3A_34], %add3A_33 {strides = array<i32>} : memref<5000x128xf32, #tpu.memory_space<vmem>>, vector<5000x128xf32>,
    return
  }
  func.func @transform_0(%arg0: i32) -> (i32, i32) {
    %c0_i32 = arith.constant 0 : i32
    %c0_i32_0 = arith.constant 0 : i32
    return %arg0, %c0_i32 : i32, i32
  }
  func.func @transform_1(%arg0: i32) -> (i32, i32, i32) {
    %c0_i32 = arith.constant 0 : i32
    %c0_i32_0 = arith.constant 0 : i32
    %c0_i32_1 = arith.constant 0 : i32
    return %c0_i32, %arg0, %c0_i32_0 : i32, i32, i32
  }
  func.func @transform_2(%arg0: i32) -> (i32, i32) {
    %c0_i32 = arith.constant 0 : i32
    %c0_i32_0 = arith.constant 0 : i32
    %c0_i32_1 = arith.constant 0 : i32
    return %c0_i32, %c0_i32_0 : i32, i32
  }
  func.func @transform_3(%arg0: i32) -> (i32, i32) {
    %c0_i32 = arith.constant 0 : i32
    %c0_i32_0 = arith.constant 0 : i32
    %c0_i32_1 = arith.constant 0 : i32
    return %c0_i32, %c0_i32_0 : i32, i32
  }
  func.func @transform_4(%arg0: i32) -> (i32, i32) {
    %c0_i32 = arith.constant 0 : i32
    %c0_i32_0 = arith.constant 0 : i32
    %c0_i32_1 = arith.constant 0 : i32
    return %c0_i32, %c0_i32_0 : i32, i32
  }
  func.func @transform_5(%arg0: i32) -> (i32, i32) {
    %c0_i32 = arith.constant 0 : i32
    %c0_i32_0 = arith.constant 0 : i32
    %c0_i32_1 = arith.constant 0 : i32
    return %c0_i32, %c0_i32_0 : i32, i32
  }
  func.func @transform_6(%arg0: i32) -> (i32, i32) {
    %c0_i32 = arith.constant 0 : i32
    %c0_i32_0 = arith.constant 0 : i32
    return %arg0, %c0_i32 : i32, i32
  }
}

</mosaic_0001>

<sc_bundles>
// kernel: kernel.4.cloned.1.call-start
scs
__scs_entry_jumppad:
0x0: {  	(pc) =	sbr.rel $0x88, $3  }
0x1: {  	(tag) =	ssettag $0x0;
	lr =	simm.s32 $0x1  }
0x2: {  	[smem:$0x3F9B] =	sst lr;
	_ =	strace $0xD0000000  }
0x3: {  	_ = 	snop  }
0x4: {  	_ = 	snop  }
0x5: {  	_ = 	snop  }
0x6: {  	_ = 	snop  }
0x7: {  	_ = 	snop  }
__scs_overlays_trampoline_lowered:
0x8: {  	[smem:$0x3FAA] =	sst s0  }
0x9: {  	[smem:$0x3FAB] =	sst s1  }
0xa: {  	[smem:$0x3FAC] =	sst s2  }
0xb: {  	[smem:$0x3FAD] =	sst s3  }
0xc: {  	[smem:$0x3FAE] =	sst s4  }
0xd: {  	[smem:$0x3FAF] =	sst s5  }
0xe: {  	[smem:$0x3FB0] =	sst s6  }
0xf: {  	[smem:$0x3FB1] =	sst s7  }
0x10: {  	[smem:$0x3FB2] =	sst s8  }
0x11: {  	[smem:$0x3FB3] =	sst s9;
	s0 =	simm.s32 @!p0 $0x0  }
0x12: {  	s1 =	sld [smem:$0x3F99];
	s0 =	simm.s32 @p0 $0x1  }
0x13: {  	[smem:$0x3FB4] =	sst s0;
	s0 =	simm.s32 @!p1 $0x0  }
0x14: {  	s2 =	sld [smem:$0x3F98];
	s0 =	simm.s32 @p1 $0x1  }
0x15: {  	[smem:$0x3FB5] =	sst s0;
	s0 =	simm.s32 @!p2 $0x0  }
0x16: {  	s3 =	sld [smem:$0x3FDB];
	s0 =	simm.s32 @p2 $0x1  }
0x17: {  	s4 =	simm.s32 $0x1BF5;
	[smem:$0x3FB7] =	sst s0  }
0x18: {  	s0 =	sld [smem:$0x3F9A];
	_ =	swait.ge [sflag:s4], $0x0  }
0x19: {  	s7 =	sld [smem:$0x3F9B]  }
0x1a: {  	s8 =	sadd.s32 $0xFFFFE003, lr  }
0x1b: {  	s9 =	sadd.s32 $0xFFFFFEF7, lr;
	s5 =	simm.s32 $0xFFFFFFFF;
	p2 =	slt.u32 s8, $0xFFFFF086  }
0x1c: {  	p1 =	slt.u32 s9, $0xF7A;
	s5 =	simm.s32 @!p2 $0x0  }
0x1d: {  	s5 =	simm.s32 @p1 $0x1;
	p0 =	seq.s32 s7, s2  }
0x1e: {  	s7 =	smul.u32 @!p0 $0xF7A, s2;
	p2 =	seq.s32 @!p0 s5, $0x0  }
0x1f: {  	s9 =	smul.u32 $0xF7A, s1;
	s8 =	simm.s32 @!p0 $0x1BF5;
	p2 =	por !p2, p0  }
0x20: {  	[sflag:s8] =	ssyncset.s32 @!p0 $0xFFFFF086;
	s6 =	sadd.s32 @!p0 s3, s7;
	s7 =	simm.s32 @!p0 $0x108  }
0x21: {  	s3 =	sadd.s32 s3, s9;
	s6 =	sadd.s32 @!p0 $0x88, s6;
	s7 =	simm.s32 @p2 $0x1082  }
0x22: {  	[simem:s7], [sflag:s8] =	dma.local @!p0 [hbm:s6], $0xF7A  }
0x23: {  	s9 =	sor.u32 $0xD0000000, s2;
	s6 =	simm.s32 $0x108;
	_ =	swait.ge @!p0 [sflag:s8], $0x0  }
0x24: {  	s3 =	sadd.s32 $0x88, s3;
	s6 =	simm.s32 @!p1 $0x1082;
	[sflag:s4] =	ssyncset.s32 $0xFFFFF086  }
0x25: {  	[simem:s6], [sflag:s4] =	dma.local [hbm:s3], $0xF7A  }
0x26: {  	[smem:$0x3F9B] =	sst s1;
	(tag) =	ssettag s2;
	_ =	strace s9  }
0x27: {  	s1 =	sld [smem:$0x3FAB]  }
0x28: {  	s2 =	sld [smem:$0x3FAC]  }
0x29: {  	s4 =	sld [smem:$0x3FAE]  }
0x2a: {  	p0 =	seq.s32 s5, $0x0;
	s5 =	sld [smem:$0x3FAF]  }
0x2b: {  	s6 =	sld [smem:$0x3FB0]  }
0x2c: {  	s7 =	sld [smem:$0x3FB1]  }
0x2d: {  	s3 =	simm.s32 $0x108;
	s8 =	sld [smem:$0x3FB2]  }
0x2e: {  	s3 =	simm.s32 @!p0 $0x1082;
	s9 =	sld [smem:$0x3FB3]  }
0x2f: {  	lr =	sadd.s32 s0, s3;
	s0 =	sld [smem:$0x3FAA]  }
0x30: {  	s3 =	sld [smem:$0x3FAD]  }
0x31: {  	[smem:$0x3FB6] =	sst s10  }
0x32: {  	s10 =	sld [smem:$0x3FB4];
	_ =	sdelay $0x3  }
0x33: {  	p0 =	seq.s32 s10, $0x1;
	s10 =	sld [smem:$0x3FB6];
	_ =	sdelay $0x3  }
0x34: {  	[smem:$0x3FB6] =	sst s10  }
0x35: {  	s10 =	sld [smem:$0x3FB5];
	_ =	sdelay $0x3  }
0x36: {  	p1 =	seq.s32 s10, $0x1;
	s10 =	sld [smem:$0x3FB6];
	_ =	sdelay $0x3  }
0x37: {  	[smem:$0x3FB6] =	sst s10  }
0x38: {  	s10 =	sld [smem:$0x3FB7]  }
0x39: {  	_ = 	snop;
	(pc) =	sbr.ind lr, $3  }
0x3a: {  	_ = 	snop  }
0x3b: {  	_ = 	snop  }
0x3c: {  	p2 =	seq.s32 s10, $0x1;
	s10 =	sld [smem:$0x3FB6]  }
0x3d: {  	_ =	shalt  }
0x3e: {  	_ =	shalt  }
0x3f: {  	_ =	shalt  }
0x40: {  	_ =	shalt  }
0x41: {  	_ =	shalt  }
0x42: {  	_ =	shalt  }
0x43: {  	_ =	shalt  }
0x44: {  	_ =	shalt  }
0x45: {  	_ =	shalt  }
0x46: {  	_ =	shalt  }
0x47: {  	_ =	shalt  }
0x48: {  	_ =	shalt  }
0x49: {  	_ =	shalt  }
0x4a: {  	_ =	shalt  }
0x4b: {  	_ =	shalt  }
0x4c: {  	_ =	shalt  }
0x4d: {  	_ =	shalt  }
0x4e: {  	_ =	shalt  }
0x4f: {  	_ =	shalt  }
0x50: {  	_ =	shalt  }
0x51: {  	_ =	shalt  }
0x52: {  	_ =	shalt  }
0x53: {  	_ =	shalt  }
0x54: {  	_ =	shalt  }
0x55: {  	_ =	shalt  }
0x56: {  	_ =	shalt  }
0x57: {  	_ =	shalt  }
0x58: {  	_ =	shalt  }
0x59: {  	_ =	shalt  }
0x5a: {  	_ =	shalt  }
0x5b: {  	_ =	shalt  }
0x5c: {  	_ =	shalt  }
0x5d: {  	_ =	shalt  }
0x5e: {  	_ =	shalt  }
0x5f: {  	_ =	shalt  }
0x60: {  	_ =	shalt  }
0x61: {  	_ =	shalt  }
0x62: {  	_ =	shalt  }
0x63: {  	_ =	shalt  }
0x64: {  	_ =	shalt  }
0x65: {  	_ =	shalt  }
0x66: {  	_ =	shalt  }
0x67: {  	_ =	shalt  }
0x68: {  	_ =	shalt  }
0x69: {  	_ =	shalt  }
0x6a: {  	_ =	shalt  }
0x6b: {  	_ =	shalt  }
0x6c: {  	_ =	shalt  }
0x6d: {  	_ =	shalt  }
0x6e: {  	_ =	shalt  }
0x6f: {  	_ =	shalt  }
0x70: {  	_ =	shalt  }
0x71: {  	_ =	shalt  }
0x72: {  	_ =	shalt  }
0x73: {  	_ =	shalt  }
0x74: {  	_ =	shalt  }
0x75: {  	_ =	shalt  }
0x76: {  	_ =	shalt  }
0x77: {  	_ =	shalt  }
0x78: {  	_ =	shalt  }
0x79: {  	_ =	shalt  }
0x7a: {  	_ =	shalt  }
0x7b: {  	_ =	shalt  }
0x7c: {  	_ =	shalt  }
0x7d: {  	_ =	shalt  }
0x7e: {  	_ =	shalt  }
0x7f: {  	_ =	shalt  }
0x80: {  	_ =	shalt  }
0x81: {  	_ =	shalt  }
0x82: {  	_ =	shalt  }
0x83: {  	_ =	shalt  }
0x84: {  	_ =	shalt  }
0x85: {  	_ =	shalt  }
0x86: {  	_ =	shalt  }
0x87: {  	_ =	shalt  }
.Lfunc_end0:
.L_simem_size_0:
called_computation_lowered:
.L_overlay_start_0:
0x88: {  	s2 =	sld [smem:$0x3FD9]  }
0x89: {  	s3 =	sld [smem:$0x3FFE];
	_ =	sdelay $0x1  }
0x8a: {  	s1 =	srdreg.scid  }
0x8b: {  	s0 =	sand.u32 $0x1, s1  }
0x8c: {  	s17 =	sshll.u32 s0, $0xA;
	s2 =	sadd.s32 s3, s2  }
0x8d: {  	s2 =	sadd.s32 s2, s17  }
0x8e: {  	[smem:$0x3FC2] =	sst s2  }
0x8f: {  	_ = 	snop  }
0x90: {  	s2 =	sld [smem:$0x3FC9]  }
0x91: {  	s18 =	sld [smem:$0x3FD0];
	(tm) =	ssettm $0x1  }
0x92: {  	s4 =	sld [smem:$0x3FFB];
	_ =	sdelay $0x3  }
0x93: {  	_ =	strace s4  }
0x94: {  	s4 =	sld [smem:$0x3FFC];
	_ =	sdelay $0x3  }
0x95: {  	_ =	strace s4  }
0x96: {  	s4 =	sld [smem:$0x3FFD];
	_ =	sdelay $0x3  }
0x97: {  	_ =	strace s4  }
0x98: {  	_ =	strace $0x8FFFFFFF  }
0x99: {  	s19 =	sld [smem:$0x3FDB];
	_ =	sdelay $0x1  }
0x9a: {  	s5 =	simm.s32 $_scs_section_size  }
0x9b: {  	s6 =	simm.s32 $_size__tile_overlayer_lowered;
	s7 =	simm.s32 $_tile_overlayer_lowered  }
0x9c: {  	s22 =	simm.s32 $0x1BFF;
	s21 =	sshll.u32 s7, $0x1;
	s4 =	sadd.s32 s5, s19  }
0x9d: {  	s8 =	simm.s32 $0x0;
	s20 =	sshll.u32 s6, $0x1;
	s6 =	sadd.s32 s21, s4  }
0x9e: {  	[timem:s8], [sflag:s22] =	dma.local [hbm:s6], s20  }
0x9f: {  	_ =	swait.ge [sflag:s22], s20  }
0xa0: {  	s5 =	ssub.s32 $0x0, s20;
	[sflag:s22] =	ssyncset.done $0x0  }
0xa1: {  	[sflag:s22] =	ssyncadd.s32 s5;
	_ =	sdelay $0x1  }
0xa2: {  	s23 =	simm.s32 $0x1B8B  }
0xa3: {  	_ =	swait.ge [sflag:s23], $0x1  }
0xa4: {  	[sflag:s23] =	ssyncset.done $0x0  }
0xa5: {  	s25 =	simm.s32 $0x1B8E;
	s24 =	sld [smem:$0x3FFE];
	[sflag:s23] =	ssyncadd.s32 $0xFFFFFFFF  }
0xa6: {  	s26 =	simm.s32 $execute0_lowered;
	[smem:$0x3FD2] =	sst s25  }
0xa7: {  	s6 =	sshll.u32 s26, $0x1;
	_ =	strace $0x80000046;
	[dreg:$0x1] =	wrdreg $0xFFFFFFFF  }
0xa8: {  	s28 =	simm.s32 $_size_execute0_lowered;
	s4 =	sadd.s32 s4, s6;
	[dreg:$0x0] =	wrdreg $0x0  }
0xa9: {  	s6 =	sshll.u32 s28, $0x1;
	[dreg:$0x2] =	wrdreg s4  }
0xaa: {  	[dreg:$0x3] =	wrdreg s6  }
0xab: {  	[dreg:$0x4] =	wrdreg $0xC0  }
0xac: {  	_ =	task [dreg:s8], $0x5FFFF  }
0xad: {  	[dreg:$0x1] =	wrdreg $0xFFFFFFFF  }
0xae: {  	[dreg:$0x0] =	wrdreg $0x60  }
0xaf: {  	[dreg:$0x2] =	wrdreg s2  }
0xb0: {  	[dreg:$0x3] =	wrdreg s24  }
0xb1: {  	[dreg:$0x4] =	wrdreg s18  }
0xb2: {  	[dreg:$0x5] =	wrdreg $0x9E200  }
0xb3: {  	[dreg:$0x6] =	wrdreg $0x9  }
0xb4: {  	_ =	task.clear_ibuf [dreg:s8], $0x7FFFF;
	_ =	strace $0x90000046  }
0xb5: {  	s29 =	simm.s32 $0x9;
	_ =	strace $0x80000048  }
0xb6: {  	_ =	swait.ge [sflag:s29], $0x1  }
0xb7: {  	[sflag:s29] =	ssyncadd.s32 $0xFFFFFFFF  }
0xb8: {  	_ =	strace $0x90000048  }
0xb9: {  	_ =	sfence  }
0xba: {  	s30 =	sld [smem:$0x0];
	_ =	sdelay $0x2  }
0xbb: {  	s31 =	sshll.u32 s1, $0xD;
	s1 =	sshrl.u32 s1, $0x2  }
0xbc: {  	s3 =	sand.u32 $0x4000, s31;
	s1 =	sadd.s32 s1, s30  }
0xbd: {  	s0 =	sor.u32 s3, s0;
	s1 =	sshll.u32 s1, $0x11  }
0xbe: {  	s0 =	sor.u32 s1, s0  }
0xbf: {  	s0 =	sadd.s32 $0x8F2B, s0  }
0xc0: {  	[sflag:s0] =	ssyncadd.remote.s32 $0x1  }
0xc1: {  	_ =	sfence.sel $0xFFFF  }
0xc2: {  	[dreg:$0x0] =	wrdreg $0xFFFFFFFF;
	(pc) =	sbr.abs _section_cstart, $3  }
0xc3: {  	[dreg:$0x1] =	wrdreg $0xFFFFFFFF  }
0xc4: {  	_ =	task.clear_ibuf [dreg:s8], $0x2FFFF;
	_ =	strace $0x9FFFFFFF  }
0xc5: {  	(tm) =	ssettm $0x7FFFFFFF  }
tec
execute0_lowered:
.L_overlay_start_1:
0x0: {  	(tag) =	ssettag $0x1  }
0x1: {  	s30 =	stileid.u32  }
0x2: {  	s0 =	srdreg.scid;
	s6 =	sor.u32 $0x10, s30  }
0x3: {  	s3 =	rddreg [dreg:$0x1];
	s20 =	sor.u32 $0x20, s30;
	s9 =	smul.u32 $0xA000, s6  }
0x4: {  	s2 =	sand.u32 $0x1, s0;
	s21 =	sor.u32 $0x30, s30;
	s23 =	smul.u32 $0x2800, s20  }
0x5: {  	s13 =	sor.u32 $0x40, s30;
	s0 =	sshll.u32 s2, $0x4;
	s24 =	smul.u32 $0x2800, s21  }
0x6: {  	s18 =	ssub.s32 $0x2, s2;
	s25 =	smul.u32 $0x2800, s13;
	s0 =	sor.u32 s30, s0  }
0x7: {  	s4 =	rddreg [dreg:$0x2];
	s8 =	sshrl.u32 s18, $0x1;
	s5 =	smul.u32 $0x4E2, s0  }
0x8: {  	s1 =	simm.s32 $0x0;
	s0 =	ssub.s32 s18, s8;
	s8 =	smul.u32 $0x138800, s2  }
0x9: {  	[smem:$0x7FF] =	sst s1;
	s2 =	smul.u32 $0x2800, s30;
	s18 =	sor.u32 $0x60, s30  }
0xa: {  	s11 =	sadd.s32 $0xAC00, s3;
	p0 =	sgt.u32 s30, $0xC;
	s28 =	smul.u32 $0x2800, s18  }
0xb: {  	s7 =	sadd.s32 s5, s3;
	s19 =	sadd.s32 s4, s5;
	s3 =	smul.u32 $0x2800, s6  }
0xc: {  	s6 =	sor.u32 $0x50, s30;
	s10 =	sadd.s32 s2, s8;
	s4 =	smul.u32 $0xA000, s20  }
0xd: {  	s14 =	sadd.s32 s8, s23;
	s5 =	smul.u32 $0xA000, s21;
	s21 =	sshrl.u32 s9, $0x2  }
0xe: {  	[dreg:$0x5] =	wrdreg s19;
	s19 =	sor.u32 $0x70, s30;
	s10 =	sshrl.u32 s10, $0x3  }
0xf: {  	s14 =	sshrl.u32 s14, $0x3;
	s17 =	sadd.s32 s8, s28;
	s7 =	sadd.s32 $0xE00, s7  }
0x10: {  	s12 =	sadd.s32 s8, s3;
	s10 =	sadd.s32 s11, s10;
	s26 =	sadd.s32 s11, s14  }
0x11: {  	s14 =	sadd.s32 s8, s25;
	s29 =	smul.u32 $0x2800, s19;
	s4 =	sshrl.u32 s4, $0x2  }
0x12: {  	s9 =	sshrl.u32 s5, $0x2;
	s12 =	sshrl.u32 s12, $0x3;
	[dreg:$0x6] =	wrdreg s10  }
0x13: {  	[dreg:$0x8] =	wrdreg s26;
	s26 =	smul.u32 $0x2800, s6;
	s22 =	sadd.s32 s11, s12  }
0x14: {  	s6 =	smul.u32 $0xA000, s6;
	s12 =	sadd.s32 s8, s24;
	[dreg:$0x7] =	wrdreg s22  }
0x15: {  	s10 =	sshrl.u32 s12, $0x3;
	s12 =	sshrl.u32 s14, $0x3;
	s16 =	sadd.s32 s8, s26  }
0x16: {  	s8 =	sadd.s32 s8, s29;
	s22 =	smul.u32 $0xA000, s13;
	s10 =	sadd.s32 s11, s10  }
0x17: {  	s15 =	sadd.s32 s11, s12;
	s12 =	sshrl.u32 s17, $0x3;
	[dreg:$0x9] =	wrdreg s10  }
0x18: {  	s14 =	smul.u32 $0xA000, s19;
	[dreg:$0xa] =	wrdreg s15;
	s12 =	sadd.s32 s11, s12  }
0x19: {  	s8 =	sshrl.u32 s8, $0x3;
	s10 =	sshrl.u32 s16, $0x3;
	[dreg:$0xc] =	wrdreg s12  }
0x1a: {  	s15 =	smul.u32 $0xA000, s30;
	s8 =	sadd.s32 s11, s8;
	s12 =	rddreg [dreg:$0x3]  }
0x1b: {  	s13 =	sshrl.u32 s22, $0x2;
	s10 =	sadd.s32 s11, s10;
	[dreg:$0xd] =	wrdreg s8  }
0x1c: {  	s22 =	sshrl.u32 s6, $0x2;
	s6 =	sshrl.u32 s14, $0x2;
	[dreg:$0xb] =	wrdreg s10  }
0x1d: {  	s11 =	smul.u32 $0xA000, s18;
	s10 =	rddreg [dreg:$0x0];
	s20 =	sshrl.u32 s15, $0x2  }
0x1e: {  	s16 =	sadd.s32 s21, s12;
	s17 =	sadd.s32 s4, s12;
	s18 =	sadd.s32 s9, s12  }
0x1f: {  	s19 =	sadd.s32 s13, s12;
	s2 =	sadd.s32 s2, s12;
	s3 =	sadd.s32 s3, s12  }
0x20: {  	s8 =	sadd.s32 s24, s12;
	s13 =	sadd.s32 s26, s12;
	s14 =	sadd.s32 s28, s12  }
0x21: {  	s9 =	sadd.s32 s29, s12;
	s4 =	simm.s32 $0x4E20;
	_ =	strace $0x80000047  }
0x22: {  	[dreg:$0xe] =	wrdreg s7;
	s15 =	sadd.s32 s20, s12;
	s5 =	sshrl.u32 s11, $0x2  }
0x23: {  	s20 =	sadd.s32 s22, s12;
	s22 =	sadd.s32 s6, s12;
	s7 =	sadd.s32 s23, s12  }
0x24: {  	s11 =	sadd.s32 s25, s12;
	s23 =	smax.u32 s0, $0x1;
	s24 =	sshrl.u32 s2, $0x3  }
0x25: {  	s25 =	sshrl.u32 s3, $0x3;
	s28 =	sshrl.u32 s8, $0x3;
	s30 =	sshrl.u32 s13, $0x3  }
0x26: {  	s31 =	sshrl.u32 s14, $0x3;
	s9 =	sshrl.u32 @!p0 s9, $0x3;
	s0 =	simm.s32 $0x3  }
0x27: {  	s2 =	simm.s32 $0x7620;
	s3 =	simm.s32 $0x28;
	s6 =	simm.s32 $0x1  }
0x28: {  	s8 =	simm.s32 $0x0;
	s21 =	sadd.s32 s5, s12;
	s26 =	sshrl.u32 s7, $0x3  }
0x29: {  	v0 =	vimm.f32 $0.0e+00;
	s29 =	sshrl.u32 s11, $0x3;
	s5 =	simm.s32 $0x6220;
	s7 =	simm.s32 $0x2  }
.LBB2_1:
0x2a: {  	s11 =	rddreg [dreg:$0xe]  }
0x2b: {  	[tilespmem:s1], [sflag:$0x3] =	stream.linear.gather [hbm4b:s11+s1], $0x2710, $0x38;
	[tilespmem:$0x1D6A0] =	vst v63  }
0x2c: {  	_ =	swait.ge [sflag:s0], $0x2710  }
0x2d: {  	[sflag:s0] =	ssyncset.done $0x0  }
0x2e: {  	s13 =	simm.s32 $0x2710;
	s14 =	rddreg [dreg:$0x5];
	[sflag:s0] =	ssyncadd.s32 $0xFFFFD8F0  }
0x2f: {  	[tilespmem:s13], [sflag:$0x3] =	stream.linear.gather [hbm4b:s14+s1], $0x2710, $0x38;
	[tilespmem:$0x1D6A0] =	vst v63  }
0x30: {  	_ =	swait.ge [sflag:s0], $0x2710  }
0x31: {  	s14 =	sand.u32 $0xFFC0, s1;
	[sflag:s0] =	ssyncset.done $0x0  }
0x32: {  	s11 =	simm.s32 $0x40;
	s13 =	sshrl.u32 s14, $0x2;
	[sflag:s0] =	ssyncadd.s32 $0xFFFFD8F0  }
.LBB2_2:
0x33: {  	p1 =	sne.s32 s11, $0x9FC0;
	[tilespmem:s13+$0x7620] =	vst v0;
	s13 =	smov.u32 s11;
	s11 =	sadd.s32 $0x40, s11  }
.Ltmp0:
0x34: {  	(pc) =	sbr.rel @p1 .LBB2_2-.Ltmp0, $3  }
0x35: {  	_ =	sdelay $0x1  }
0x36: {  	s13 =	sand.u32 $0xFFC0, s13  }
0x37: {  	s13 =	sshrl.u32 s13, $0x2  }
0x38: {  	[tilespmem:s13+$0x7620] =	vst v0  }
0x39: {  	[spmem:s15] =	stream.linear.scatter [tilespmem:s2], [sflag:$0x3], $0x2800, $0x38;
	[tilespmem:$0x1D6A0] =	vst v63  }
0x3a: {  	_ =	swait.ge [sflag:s0], $0x2800  }
0x3b: {  	[sflag:s0] =	ssyncset.done $0x0  }
0x3c: {  	[sflag:s0] =	ssyncadd.s32 $0xFFFFD800  }
0x3d: {  	[spmem:s16] =	stream.linear.scatter [tilespmem:s2], [sflag:$0x3], $0x2800, $0x38;
	[tilespmem:$0x1D6A0] =	vst v63  }
0x3e: {  	_ =	swait.ge [sflag:s0], $0x2800  }
0x3f: {  	[sflag:s0] =	ssyncset.done $0x0  }
0x40: {  	[sflag:s0] =	ssyncadd.s32 $0xFFFFD800  }
0x41: {  	[spmem:s17] =	stream.linear.scatter [tilespmem:s2], [sflag:$0x3], $0x2800, $0x38;
	[tilespmem:$0x1D6A0] =	vst v63  }
0x42: {  	_ =	swait.ge [sflag:s0], $0x2800  }
0x43: {  	[sflag:s0] =	ssyncset.done $0x0  }
0x44: {  	[sflag:s0] =	ssyncadd.s32 $0xFFFFD800  }
0x45: {  	[spmem:s18] =	stream.linear.scatter [tilespmem:s2], [sflag:$0x3], $0x2800, $0x38;
	[tilespmem:$0x1D6A0] =	vst v63  }
0x46: {  	_ =	swait.ge [sflag:s0], $0x2800  }
0x47: {  	[sflag:s0] =	ssyncset.done $0x0  }
0x48: {  	[sflag:s0] =	ssyncadd.s32 $0xFFFFD800  }
0x49: {  	[spmem:s19] =	stream.linear.scatter [tilespmem:s2], [sflag:$0x3], $0x2800, $0x38;
	[tilespmem:$0x1D6A0] =	vst v63  }
0x4a: {  	_ =	swait.ge [sflag:s0], $0x2800  }
0x4b: {  	[sflag:s0] =	ssyncset.done $0x0  }
0x4c: {  	[sflag:s0] =	ssyncadd.s32 $0xFFFFD800  }
0x4d: {  	[spmem:s20] =	stream.linear.scatter [tilespmem:s2], [sflag:$0x3], $0x2800, $0x38;
	[tilespmem:$0x1D6A0] =	vst v63  }
0x4e: {  	_ =	swait.ge [sflag:s0], $0x2800  }
0x4f: {  	[sflag:s0] =	ssyncset.done $0x0  }
0x50: {  	[sflag:s0] =	ssyncadd.s32 $0xFFFFD800  }
0x51: {  	[spmem:s21] =	stream.linear.scatter [tilespmem:s2], [sflag:$0x3], $0x2800, $0x38;
	[tilespmem:$0x1D6A0] =	vst v63  }
0x52: {  	_ =	swait.ge [sflag:s0], $0x2800  }
0x53: {  	[sflag:s0] =	ssyncset.done $0x0  }
0x54: {  	s11 =	simm.s32 @!p0 $0x7620;
	[sflag:s0] =	ssyncadd.s32 $0xFFFFD800  }
0x55: {  	[spmem:s22] =	stream.linear.scatter @!p0 [tilespmem:s11], [sflag:$0x3], $0x2800, $0x38;
	[tilespmem:$0x1D6A0] =	vst v63  }
0x56: {  	s11 =	simm.s32 @!p0 $0x3  }
0x57: {  	_ =	swait.ge @!p0 [sflag:s11], $0x2800  }
0x58: {  	[sflag:s11] =	ssyncset.done @!p0 $0x0  }
0x59: {  	[sflag:s11] =	ssyncadd.s32 @!p0 $0xFFFFD800  }
0x5a: {  	s13 =	simm.s32 $0x0;
	[bflag:$0x0] =	sbarrier.arrive $0xFFFF  }
0x5b: {  	[tilespmem:s4], [sflag:$0x1] =	stream.indirect.gather [hbm4b:s10+s3], $0x80, s13, s3, $0xb8;
	[tilespmem:$0x1D6A0] =	vst v63  }
0x5c: {  	_ = 	snop  }
0x5d: {  	[tilespmem:s5], [sflag:$0x2] =	stream.indirect.gather [hbm4b:s10+s3], $0x80, s3, s3, $0xb8;
	[tilespmem:$0x1D6A0] =	vst v63  }
0x5e: {  	_ =	swait.ge [sflag:s6], $0x1400  }
0x5f: {  	[sflag:s6] =	ssyncset.done $0x0  }
0x60: {  	s14 =	simm.s32 $0x2710;
	[sflag:s6] =	ssyncadd.s32 $0xFFFFEC00  }
0x61: {  	[spmem:s12] =	stream.indirect.scatter.add.f32 [tilespmem:s4], [sflag:$0x3], $0x80, s14, s3, $0xb8;
	[tilespmem:$0x1D6A0] =	vst v63  }
0x62: {  	_ =	swait.ge [sflag:s0], $0x1400  }
0x63: {  	[sflag:s0] =	ssyncset.done $0x0  }
0x64: {  	s13 =	simm.s32 $0x50;
	[sflag:s0] =	ssyncadd.s32 $0xFFFFEC00  }
0x65: {  	[tilespmem:s4], [sflag:$0x1] =	stream.indirect.gather [hbm4b:s10+s3], $0x80, s13, s3, $0xb8;
	[tilespmem:$0x1D6A0] =	vst v63  }
0x66: {  	_ =	swait.ge [sflag:s7], $0x1400  }
0x67: {  	[sflag:s7] =	ssyncset.done $0x0  }
0x68: {  	s14 =	simm.s32 $0x2738;
	[sflag:s7] =	ssyncadd.s32 $0xFFFFEC00  }
0x69: {  	[spmem:s12] =	stream.indirect.scatter.add.f32 [tilespmem:s5], [sflag:$0x3], $0x80, s14, s3, $0xb8;
	[tilespmem:$0x1D6A0] =	vst v63  }
0x6a: {  	_ =	swait.ge [sflag:s0], $0x1400  }
0x6b: {  	[sflag:s0] =	ssyncset.done $0x0  }
0x6c: {  	s11 =	simm.s32 $0x140;
	s13 =	simm.s32 $0x78;
	[sflag:s0] =	ssyncadd.s32 $0xFFFFEC00  }
.LBB2_4:
0x6d: {  	[tilespmem:s5], [sflag:$0x2] =	stream.indirect.gather [hbm4b:s10+s3], $0x80, s13, s3, $0xb8;
	[tilespmem:$0x1D6A0] =	vst v63  }
0x6e: {  	s13 =	smov.u32 s11  }
0x6f: {  	p1 =	sne.s32 s11, $0x99C0;
	s11 =	sadd.s32 $0x140, s11;
	_ =	swait.ge [sflag:s6], $0x1400  }
0x70: {  	s13 =	sshra.s32 s13, $0x2;
	[sflag:s6] =	ssyncset.done $0x0  }
0x71: {  	s14 =	sadd.s32 $0x2710, s13;
	[sflag:s6] =	ssyncadd.s32 $0xFFFFEC00  }
0x72: {  	[spmem:s12] =	stream.indirect.scatter.add.f32 [tilespmem:s4], [sflag:$0x3], $0x80, s14, s3, $0xb8;
	[tilespmem:$0x1D6A0] =	vst v63  }
0x73: {  	_ =	swait.ge [sflag:s0], $0x1400  }
0x74: {  	[sflag:s0] =	ssyncset.done $0x0  }
0x75: {  	s14 =	sadd.s32 $0x50, s13;
	[sflag:s0] =	ssyncadd.s32 $0xFFFFEC00  }
0x76: {  	[tilespmem:s4], [sflag:$0x1] =	stream.indirect.gather [hbm4b:s10+s3], $0x80, s14, s3, $0xb8;
	[tilespmem:$0x1D6A0] =	vst v63  }
0x77: {  	_ =	swait.ge [sflag:s7], $0x1400  }
0x78: {  	[sflag:s7] =	ssyncset.done $0x0  }
.Ltmp1:
0x79: {  	s14 =	sadd.s32 $0x2738, s13;
	[sflag:s7] =	ssyncadd.s32 $0xFFFFEC00;
	(pc) =	sbr.rel @p1 .LBB2_4-.Ltmp1, $4  }
0x7a: {  	[spmem:s12] =	stream.indirect.scatter.add.f32 [tilespmem:s5], [sflag:$0x3], $0x80, s14, s3, $0xb8;
	[tilespmem:$0x1D6A0] =	vst v63  }
0x7b: {  	_ =	swait.ge [sflag:s0], $0x1400  }
0x7c: {  	[sflag:s0] =	ssyncset.done $0x0  }
0x7d: {  	s13 =	sadd.s32 $0x78, s13;
	[sflag:s0] =	ssyncadd.s32 $0xFFFFEC00  }
0x7e: {  	[tilespmem:s5], [sflag:$0x2] =	stream.indirect.gather [hbm4b:s10+s3], $0x80, s13, s3, $0xb8;
	[tilespmem:$0x1D6A0] =	vst v63  }
0x7f: {  	_ =	swait.ge [sflag:s6], $0x1400  }
0x80: {  	[sflag:s6] =	ssyncset.done $0x0  }
0x81: {  	s11 =	simm.s32 $0x4DD0;
	[sflag:s6] =	ssyncadd.s32 $0xFFFFEC00  }
0x82: {  	[spmem:s12] =	stream.indirect.scatter.add.f32 [tilespmem:s4], [sflag:$0x3], $0x80, s11, s3, $0xb8;
	[tilespmem:$0x1D6A0] =	vst v63  }
0x83: {  	_ =	swait.ge [sflag:s0], $0x1400  }
0x84: {  	[sflag:s0] =	ssyncset.done $0x0  }
0x85: {  	[sflag:s0] =	ssyncadd.s32 $0xFFFFEC00  }
0x86: {  	_ =	swait.ge [sflag:s7], $0x1400  }
0x87: {  	[sflag:s7] =	ssyncset.done $0x0  }
0x88: {  	s14 =	simm.s32 $0x4DF8;
	[sflag:s7] =	ssyncadd.s32 $0xFFFFEC00  }
0x89: {  	[spmem:s12] =	stream.indirect.scatter.add.f32 [tilespmem:s5], [sflag:$0x3], $0x80, s14, s3, $0xb8;
	[tilespmem:$0x1D6A0] =	vst v63  }
0x8a: {  	_ =	swait.ge [sflag:s0], $0x1400  }
0x8b: {  	[sflag:s0] =	ssyncset.done $0x0  }
0x8c: {  	s13 =	stileid.u32;
	[sflag:s0] =	ssyncadd.s32 $0xFFFFEC00  }
0x8d: {  	s11 =	sshll.u32 s13, $0x6;
	[bflag:$0x0] =	sbarrier.arrive $0xFFFF  }
0x8e: {  	s11 =	sor.u32 $0x1C03, s11;
	s14 =	rddreg [dreg:$0x6]  }
0x8f: {  	[hbm:s14], [sflag:s11] =	dma.local [spmem:s24], $0x500  }
0x90: {  	_ =	swait.ge [sflag:s0], $0x500  }
0x91: {  	[sflag:s0] =	ssyncset.done $0x0  }
0x92: {  	s14 =	rddreg [dreg:$0x7];
	[sflag:s0] =	ssyncadd.s32 $0xFFFFFB00  }
0x93: {  	[hbm:s14], [sflag:s11] =	dma.local [spmem:s25], $0x500  }
0x94: {  	_ =	swait.ge [sflag:s0], $0x500  }
0x95: {  	[sflag:s0] =	ssyncset.done $0x0  }
0x96: {  	s14 =	rddreg [dreg:$0x8];
	[sflag:s0] =	ssyncadd.s32 $0xFFFFFB00  }
0x97: {  	[hbm:s14], [sflag:s11] =	dma.local [spmem:s26], $0x500  }
0x98: {  	_ =	swait.ge [sflag:s0], $0x500  }
0x99: {  	[sflag:s0] =	ssyncset.done $0x0  }
0x9a: {  	s14 =	rddreg [dreg:$0x9];
	[sflag:s0] =	ssyncadd.s32 $0xFFFFFB00  }
0x9b: {  	[hbm:s14], [sflag:s11] =	dma.local [spmem:s28], $0x500  }
0x9c: {  	_ =	swait.ge [sflag:s0], $0x500  }
0x9d: {  	[sflag:s0] =	ssyncset.done $0x0  }
0x9e: {  	s14 =	rddreg [dreg:$0xa];
	[sflag:s0] =	ssyncadd.s32 $0xFFFFFB00  }
0x9f: {  	[hbm:s14], [sflag:s11] =	dma.local [spmem:s29], $0x500  }
0xa0: {  	_ =	swait.ge [sflag:s0], $0x500  }
0xa1: {  	[sflag:s0] =	ssyncset.done $0x0  }
0xa2: {  	s14 =	rddreg [dreg:$0xb];
	[sflag:s0] =	ssyncadd.s32 $0xFFFFFB00  }
0xa3: {  	[hbm:s14], [sflag:s11] =	dma.local [spmem:s30], $0x500  }
0xa4: {  	_ =	swait.ge [sflag:s0], $0x500  }
0xa5: {  	[sflag:s0] =	ssyncset.done $0x0  }
0xa6: {  	s14 =	rddreg [dreg:$0xc];
	[sflag:s0] =	ssyncadd.s32 $0xFFFFFB00  }
0xa7: {  	[hbm:s14], [sflag:s11] =	dma.local [spmem:s31], $0x500  }
0xa8: {  	_ =	swait.ge [sflag:s0], $0x500  }
0xa9: {  	s8 =	sadd.s32 $0x1, s8;
	[sflag:s0] =	ssyncset.done $0x0  }
0xaa: {  	p1 =	sne.s32 s8, s23;
	s13 =	rddreg [dreg:$0xd];
	[sflag:s0] =	ssyncadd.s32 $0xFFFFFB00  }
0xab: {  	[hbm:s13], [sflag:s11] =	dma.local @!p0 [spmem:s9], $0x500  }
.Ltmp2:
0xac: {  	_ = 	snop;
	(pc) =	sbr.rel @p1 .LBB2_1-.Ltmp2, $4  }
0xad: {  	s11 =	simm.s32 @!p0 $0x3  }
0xae: {  	_ =	swait.ge @!p0 [sflag:s11], $0x500  }
0xaf: {  	[sflag:s11] =	ssyncset.done @!p0 $0x0  }
0xb0: {  	[sflag:s11] =	ssyncadd.s32 @!p0 $0xFFFFFB00  }
0xb1: {  	_ =	sfence.sel $0x180000  }
0xb2: {  	[bflag:$0x0] =	sbarrier.arrive $0xFFFF  }
0xb3: {  	_ =	strace $0x90000047  }
0xb4: {  	s0 =	stileid.u32;
	[bflag:$0x2] =	sbarrier.arrive $0xFFFF  }
0xb5: {  	p0 =	sne.s32 s0, $0x0;
	s0 =	rddreg [dreg:$0x4]  }
0xb6: {  	s0 =	sadd.s32 @!p0 $0x100000, s0  }
0xb7: {  	[sflag:s0] =	ssyncadd.tile.s32 @!p0 $0x1;
	_ =	shalt  }
.Lfunc_end2:
_tile_overlayer_lowered:
.L_overlay_start_2:
0xb8: {  	(tag) =	ssettag $0x2  }
0xb9: {  	s0 =	rddreg [dreg:$0x0];
	s2 =	stileid.u32  }
0xba: {  	s1 =	rddreg [dreg:$0x1];
	p0 =	sne.s32 s2, $0x0  }
0xbb: {  	s3 =	rddreg [dreg:$0x2];
	[bflag:$0x3] =	sbarrier.arrive $0xFFFF;
	s2 =	simm.s32 @!p0 $0x1C03  }
0xbc: {  	[timem:s3], [sflag:s2] =	dma.local @!p0 [hbm:s0], s1  }
0xbd: {  	s0 =	simm.s32 @!p0 $0x3  }
0xbe: {  	_ =	swait.ge @!p0 [sflag:s0], s1  }
0xbf: {  	s1 =	ssub.s32 @!p0 $0x0, s1;
	[sflag:s0] =	ssyncset.done @!p0 $0x0  }
0xc0: {  	[sflag:s0] =	ssyncadd.s32 @!p0 s1  }
0xc1: {  	[bflag:$0x3] =	sbarrier.arrive $0xFFFF  }
0xc2: {  	_ =	shalt  }

</sc_bundles>
